<compile_context>
chip_gen: v7x
topology: tpu7x:2x2x1
jax: 0.10.2.dev20260603
libtpu: 0.0.44.dev20260713+nightly
codegen_flags: <defaults>
</compile_context>

<pallas_src>
import functools

import jax
import jax.numpy as jnp
from jax import lax
from jax.experimental import pallas as pl
from jax.experimental.pallas import tpu as pltpu
from jax.experimental.pallas import tpu_sc as plsc

_VOCAB = 1000000
_D = 64
_B = 4096
_L = 200

_NC = 2
_NS = 16
_NW = _NC * _NS
_ITEMS = _B // _NW
_PAIRS = _ITEMS // 2


def _accum_item(buf, a0, a1, a2, a3):

    def body(k, carry):
        c0, c1, c2, c3 = carry
        c0 = c0 + buf[k, pl.ds(0, 16)]
        c1 = c1 + buf[k, pl.ds(16, 16)]
        c2 = c2 + buf[k, pl.ds(32, 16)]
        c3 = c3 + buf[k, pl.ds(48, 16)]
        return c0, c1, c2, c3

    return lax.fori_loop(0, _L, body, (a0, a1, a2, a3), unroll=8)


def _pooled_embedding(x, weights):
    mesh = plsc.VectorSubcoreMesh(core_axis_name="c", subcore_axis_name="s")

    @functools.partial(
        pl.kernel,
        mesh=mesh,
        out_type=jax.ShapeDtypeStruct((_B, _D), jnp.float32),
        compiler_params=pltpu.CompilerParams(use_tc_tiling_on_sc=False),
        scratch_types=[
            pltpu.VMEM((_ITEMS, _L), jnp.int32),
            pltpu.VMEM((_L, _D), jnp.float32),
            pltpu.VMEM((_L, _D), jnp.float32),
            pltpu.VMEM((_ITEMS, _D), jnp.float32),
            pltpu.SemaphoreType.DMA,
            pltpu.SemaphoreType.DMA,
        ],
    )
    def k(x_hbm, w_hbm, out_hbm, idx_v, buf_a, buf_b, out_v, sem_a, sem_b):
        wid = lax.axis_index("s") * _NC + lax.axis_index("c")
        pltpu.sync_copy(x_hbm.at[pl.ds(wid * _ITEMS, _ITEMS)], idx_v)

        pltpu.async_copy(w_hbm.at[idx_v.at[0]], buf_a, sem_a)
        pltpu.async_copy(w_hbm.at[idx_v.at[1]], buf_b, sem_b)

        inv_l = jnp.float32(1.0 / _L)
        zero = jnp.zeros((16,), jnp.float32)

        def pair(p, _):
            i = 2 * p
            pltpu.make_async_copy(w_hbm.at[idx_v.at[0]], buf_a, sem_a).wait()
            a0, a1, a2, a3 = _accum_item(buf_a, zero, zero, zero, zero)

            @pl.when(p < _PAIRS - 1)
            def _():
                pltpu.async_copy(w_hbm.at[idx_v.at[i + 2]], buf_a, sem_a)

            out_v[i, pl.ds(0, 16)] = a0 * inv_l
            out_v[i, pl.ds(16, 16)] = a1 * inv_l
            out_v[i, pl.ds(32, 16)] = a2 * inv_l
            out_v[i, pl.ds(48, 16)] = a3 * inv_l

            pltpu.make_async_copy(w_hbm.at[idx_v.at[1]], buf_b, sem_b).wait()
            b0, b1, b2, b3 = _accum_item(buf_b, zero, zero, zero, zero)

            @pl.when(p < _PAIRS - 1)
            def _():
                pltpu.async_copy(w_hbm.at[idx_v.at[i + 3]], buf_b, sem_b)

            out_v[i + 1, pl.ds(0, 16)] = b0 * inv_l
            out_v[i + 1, pl.ds(16, 16)] = b1 * inv_l
            out_v[i + 1, pl.ds(32, 16)] = b2 * inv_l
            out_v[i + 1, pl.ds(48, 16)] = b3 * inv_l
            return 0

        lax.fori_loop(0, _PAIRS, pair, 0)

        pltpu.sync_copy(out_v, out_hbm.at[pl.ds(wid * _ITEMS, _ITEMS)])

    return k(x, weights)


def kernel(x, weights):
    return _pooled_embedding(x.astype(jnp.int32), weights)

# --- scband reference (transcript-rebuilt; emitter-appended) ---
"""Pipeline reference for scband-word-embedding-42709154792048 (READ-ONLY COPY).

The authoritative reference and input builder live on the scoring server;
editing this copy changes nothing except your own understanding.
"""

import jax, jax.numpy as jnp
import numpy as np

VOCAB = 1000000
EMBED_DIM = 64
BATCH = 4096
HIST_LEN = 200


def setup_inputs(seed: int = 0) -> dict:
    key = jax.random.key(seed)
    k1, k2 = jax.random.split(key)
    x = jax.random.randint(k1, (BATCH, HIST_LEN), 0, VOCAB)
    weights = jax.random.normal(k2, (VOCAB, EMBED_DIM), dtype=jnp.float32) * 0.02
    return {"x": x, "weights": weights}


def reference(x, weights):
    # self.embed(x): embedding gather from pretrained weight table
    emb = jnp.take(weights, x, axis=0)  # [B, L, D]
    # self.pooler(...): mean pooling over the sequence axis
    pooled = jnp.mean(emb, axis=1)  # [B, D]
    return pooled

if __name__ == "__main__":
    import jax
    _d = setup_inputs()
    print(jax.jit(kernel)(*tuple(_d.values())))

</pallas_src>

<mosaic_0001>
#map = affine_map<(d0, d1) -> (0, 0)>
module attributes {stable_mosaic.version = 14 : i64} {
  func.func @k(%arg0: i32, %arg1: i32, %arg2: memref<4096x200xi32, #tpu.memory_space<hbm>>, %arg3: memref<1000000x64xf32, #tpu.memory_space<hbm>>, %arg4: memref<4096x64xf32, #tpu.memory_space<hbm>>, %arg5: memref<128x200xi32, #tpu.memory_space<vmem>>, %arg6: memref<200x64xf32, #tpu.memory_space<vmem>>, %arg7: memref<200x64xf32, #tpu.memory_space<vmem>>, %arg8: memref<128x64xf32, #tpu.memory_space<vmem>>, %arg9: memref<!tpu.dma_semaphore, #tpu.memory_space<semaphore_mem>>, %arg10: memref<!tpu.dma_semaphore, #tpu.memory_space<semaphore_mem>>) attributes {dimension_semantics = [#tpu.dimension_semantics<core_parallel>, #tpu.dimension_semantics<subcore_parallel>], iteration_bounds = array<i64: 2, 16>, scalar_prefetch = 0 : i64, scratch_operands = 6 : i64, tpu.core_type = #tpu.core_type<sc_vector_subcore>, window_params = [{transform_indices = #map}, {transform_indices = #map}, {transform_indices = #map}]} {
    %mul3A = arith.constant 2 : i32
    %mul3A_0 = arith.muli %arg1, %mul3A : i32
    %add3A = arith.addi %mul3A_0, %arg0 : i32
    %mul3A_1 = arith.constant 128 : i32
    %mul3A_2 = arith.muli %add3A, %mul3A_1 : i32
    "tpu.region"() ({
      %run_scoped3A = tpu.sem_alloc : memref<!tpu.dma_semaphore, #tpu.memory_space<semaphore_mem>>
      %dma_start3A_26 = arith.constant 0 : i32
      %dma_start3A_27 = tpu.memref_slice %arg2[%mul3A_2, %dma_start3A_26] : memref<4096x200xi32, #tpu.memory_space<hbm>> -> memref<128x200xi32, #tpu.memory_space<hbm>>
      %dma_start3A_28 = arith.constant 0 : i32
      %dma_start3A_29 = tpu.memref_slice %arg2[%mul3A_2, %dma_start3A_28] : memref<4096x200xi32, #tpu.memory_space<hbm>> -> memref<128x200xi32, #tpu.memory_space<hbm>>
      tpu.enqueue_dma source(%dma_start3A_29 : memref<128x200xi32, #tpu.memory_space<hbm>>) target(%arg5 : memref<128x200xi32, #tpu.memory_space<vmem>>) target_semaphore(%run_scoped3A : memref<!tpu.dma_semaphore, #tpu.memory_space<semaphore_mem>>)
      %dma_wait3A = arith.constant 0 : i32
      %dma_wait3A_30 = tpu.memref_slice %arg2[%mul3A_2, %dma_wait3A] : memref<4096x200xi32, #tpu.memory_space<hbm>> -> memref<128x200xi32, #tpu.memory_space<hbm>>
      %dma_wait3A_31 = arith.constant 0 : i32
      %dma_wait3A_32 = tpu.memref_slice %arg2[%mul3A_2, %dma_wait3A_31] : memref<4096x200xi32, #tpu.memory_space<hbm>> -> memref<128x200xi32, #tpu.memory_space<hbm>>
      tpu.wait_dma2 semaphore(%run_scoped3A : memref<!tpu.dma_semaphore, #tpu.memory_space<semaphore_mem>>) src(%dma_wait3A_32 : memref<128x200xi32, #tpu.memory_space<hbm>>) dst(%arg5 : memref<128x200xi32, #tpu.memory_space<vmem>>)
      tpu.yield
    }) : () -> ()
    %dma_start3A = arith.constant 0 : i32
    %dma_start3A_3 = arith.constant 0 : i32
    %dma_start3A_4 = tpu.memref_slice %arg5[%dma_start3A, %dma_start3A_3] : memref<128x200xi32, #tpu.memory_space<vmem>> -> memref<1x200xi32, #tpu.memory_space<vmem>>
    %dma_start3A_5 = tpu.memref_squeeze %dma_start3A_4 : memref<1x200xi32, #tpu.memory_space<vmem>> -> memref<200xi32, #tpu.memory_space<vmem>>
    %dma_start3A_6 = arith.constant 0 : i32
    %dma_start3A_7 = arith.constant 0 : i32
    %dma_start3A_8 = tpu.memref_slice %arg3[%dma_start3A_6, %dma_start3A_7] : memref<1000000x64xf32, #tpu.memory_space<hbm>> -> memref<1000000x64xf32, #tpu.memory_space<hbm>>
    tpu.enqueue_indirect_dma source(%dma_start3A_8 : memref<1000000x64xf32, #tpu.memory_space<hbm>>) target(%arg6 : memref<200x64xf32, #tpu.memory_space<vmem>>) offsets(%dma_start3A_5 : memref<200xi32, #tpu.memory_space<vmem>>) semaphore(%arg9 : memref<!tpu.dma_semaphore, #tpu.memory_space<semaphore_mem>>)
    %dma_start3A_9 = arith.constant 1 : i32
    %dma_start3A_10 = arith.constant 0 : i32
    %dma_start3A_11 = tpu.memref_slice %arg5[%dma_start3A_9, %dma_start3A_10] : memref<128x200xi32, #tpu.memory_space<vmem>> -> memref<1x200xi32, #tpu.memory_space<vmem>>
    %dma_start3A_12 = tpu.memref_squeeze %dma_start3A_11 : memref<1x200xi32, #tpu.memory_space<vmem>> -> memref<200xi32, #tpu.memory_space<vmem>>
    %dma_start3A_13 = arith.constant 0 : i32
    %dma_start3A_14 = arith.constant 0 : i32
    %dma_start3A_15 = tpu.memref_slice %arg3[%dma_start3A_13, %dma_start3A_14] : memref<1000000x64xf32, #tpu.memory_space<hbm>> -> memref<1000000x64xf32, #tpu.memory_space<hbm>>
    tpu.enqueue_indirect_dma source(%dma_start3A_15 : memref<1000000x64xf32, #tpu.memory_space<hbm>>) target(%arg7 : memref<200x64xf32, #tpu.memory_space<vmem>>) offsets(%dma_start3A_12 : memref<200xi32, #tpu.memory_space<vmem>>) semaphore(%arg10 : memref<!tpu.dma_semaphore, #tpu.memory_space<semaphore_mem>>)
    %broadcast_in_dim3A = arith.constant 0.000000e+00 : f32
    %broadcast_in_dim3A_16 = vector.broadcast %broadcast_in_dim3A : f32 to vector<16xf32>
    %scan3A = arith.constant 5.000000e-03 : f32
    %scan3A_17 = arith.constant 0 : i32
    %scan3A_18 = arith.constant 0 : i32
    %scan3A_19 = arith.constant 64 : i32
    %scan3A_20 = arith.addi %scan3A_18, %scan3A_19 : i32
    %scan3A_21 = arith.constant 1 : i32
    %scan3A_22 = scf.for %scan3A_26 = %scan3A_18 to %scan3A_20 step %scan3A_21 iter_args(%scan3A_27 = %scan3A_17) -> (i32)  : i32 {
      %mul3A_28 = arith.constant 2 : i32
      %mul3A_29 = arith.muli %mul3A_28, %scan3A_26 : i32
      %dma_wait3A = arith.constant 0 : i32
      %dma_wait3A_30 = arith.constant 0 : i32
      %dma_wait3A_31 = tpu.memref_slice %arg5[%dma_wait3A, %dma_wait3A_30] : memref<128x200xi32, #tpu.memory_space<vmem>> -> memref<1x200xi32, #tpu.memory_space<vmem>>
      %dma_wait3A_32 = tpu.memref_squeeze %dma_wait3A_31 : memref<1x200xi32, #tpu.memory_space<vmem>> -> memref<200xi32, #tpu.memory_space<vmem>>
      %dma_wait3A_33 = arith.constant 0 : i32
      %dma_wait3A_34 = arith.constant 0 : i32
      %dma_wait3A_35 = tpu.memref_slice %arg3[%dma_wait3A_33, %dma_wait3A_34] : memref<1000000x64xf32, #tpu.memory_space<hbm>> -> memref<1000000x64xf32, #tpu.memory_space<hbm>>
      tpu.wait_indirect_dma semaphore(%arg9 : memref<!tpu.dma_semaphore, #tpu.memory_space<semaphore_mem>>) src(%dma_wait3A_35 : memref<1000000x64xf32, #tpu.memory_space<hbm>>) dst(%arg6 : memref<200x64xf32, #tpu.memory_space<vmem>>)
      %scan3A_36 = arith.constant 0 : i32
      %scan3A_37 = arith.constant 200 : i32
      %scan3A_38 = arith.addi %scan3A_36, %scan3A_37 : i32
      %scan3A_39 = arith.constant 8 : i32
      %scan3A_40:4 = scf.for %scan3A_126 = %scan3A_36 to %scan3A_38 step %scan3A_39 iter_args(%scan3A_127 = %broadcast_in_dim3A_16, %scan3A_128 = %broadcast_in_dim3A_16, %scan3A_129 = %broadcast_in_dim3A_16, %scan3A_130 = %broadcast_in_dim3A_16) -> (vector<16xf32>, vector<16xf32>, vector<16xf32>, vector<16xf32>)  : i32 {
        %get3A = arith.index_cast %scan3A_126 : i32 to index
        %get3A_131 = arith.constant 0 : index
        %get3A_132 = tpu.vector_load %arg6[%get3A, %get3A_131] {strides = array<i32>} : memref<200x64xf32, #tpu.memory_space<vmem>>, vector<1x16xf32>,
        %get3A_133 = vector.shape_cast %get3A_132 : vector<1x16xf32> to vector<16xf32>
        %add3A_134 = arith.addf %scan3A_127, %get3A_133 : vector<16xf32>
        %get3A_135 = arith.index_cast %scan3A_126 : i32 to index
        %get3A_136 = arith.constant 16 : index
        %get3A_137 = tpu.vector_load %arg6[%get3A_135, %get3A_136] {strides = array<i32>} : memref<200x64xf32, #tpu.memory_space<vmem>>, vector<1x16xf32>,
        %get3A_138 = vector.shape_cast %get3A_137 : vector<1x16xf32> to vector<16xf32>
        %add3A_139 = arith.addf %scan3A_128, %get3A_138 : vector<16xf32>
        %get3A_140 = arith.index_cast %scan3A_126 : i32 to index
        %get3A_141 = arith.constant 32 : index
        %get3A_142 = tpu.vector_load %arg6[%get3A_140, %get3A_141] {strides = array<i32>} : memref<200x64xf32, #tpu.memory_space<vmem>>, vector<1x16xf32>,
        %get3A_143 = vector.shape_cast %get3A_142 : vector<1x16xf32> to vector<16xf32>
        %add3A_144 = arith.addf %scan3A_129, %get3A_143 : vector<16xf32>
        %get3A_145 = arith.index_cast %scan3A_126 : i32 to index
        %get3A_146 = arith.constant 48 : index
        %get3A_147 = tpu.vector_load %arg6[%get3A_145, %get3A_146] {strides = array<i32>} : memref<200x64xf32, #tpu.memory_space<vmem>>, vector<1x16xf32>,
        %get3A_148 = vector.shape_cast %get3A_147 : vector<1x16xf32> to vector<16xf32>
        %add3A_149 = arith.addf %scan3A_130, %get3A_148 : vector<16xf32>
        %scan3A_150 = arith.constant 1 : i32
        %scan3A_151 = arith.addi %scan3A_126, %scan3A_150 : i32
        %get3A_152 = arith.index_cast %scan3A_151 : i32 to index
        %get3A_153 = arith.constant 0 : index
        %get3A_154 = tpu.vector_load %arg6[%get3A_152, %get3A_153] {strides = array<i32>} : memref<200x64xf32, #tpu.memory_space<vmem>>, vector<1x16xf32>,
        %get3A_155 = vector.shape_cast %get3A_154 : vector<1x16xf32> to vector<16xf32>
        %add3A_156 = arith.addf %add3A_134, %get3A_155 : vector<16xf32>
        %get3A_157 = arith.index_cast %scan3A_151 : i32 to index
        %get3A_158 = arith.constant 16 : index
        %get3A_159 = tpu.vector_load %arg6[%get3A_157, %get3A_158] {strides = array<i32>} : memref<200x64xf32, #tpu.memory_space<vmem>>, vector<1x16xf32>,
        %get3A_160 = vector.shape_cast %get3A_159 : vector<1x16xf32> to vector<16xf32>
        %add3A_161 = arith.addf %add3A_139, %get3A_160 : vector<16xf32>
        %get3A_162 = arith.index_cast %scan3A_151 : i32 to index
        %get3A_163 = arith.constant 32 : index
        %get3A_164 = tpu.vector_load %arg6[%get3A_162, %get3A_163] {strides = array<i32>} : memref<200x64xf32, #tpu.memory_space<vmem>>, vector<1x16xf32>,
        %get3A_165 = vector.shape_cast %get3A_164 : vector<1x16xf32> to vector<16xf32>
        %add3A_166 = arith.addf %add3A_144, %get3A_165 : vector<16xf32>
        %get3A_167 = arith.index_cast %scan3A_151 : i32 to index
        %get3A_168 = arith.constant 48 : index
        %get3A_169 = tpu.vector_load %arg6[%get3A_167, %get3A_168] {strides = array<i32>} : memref<200x64xf32, #tpu.memory_space<vmem>>, vector<1x16xf32>,
        %get3A_170 = vector.shape_cast %get3A_169 : vector<1x16xf32> to vector<16xf32>
        %add3A_171 = arith.addf %add3A_149, %get3A_170 : vector<16xf32>
        %scan3A_172 = arith.constant 2 : i32
        %scan3A_173 = arith.addi %scan3A_126, %scan3A_172 : i32
        %get3A_174 = arith.index_cast %scan3A_173 : i32 to index
        %get3A_175 = arith.constant 0 : index
        %get3A_176 = tpu.vector_load %arg6[%get3A_174, %get3A_175] {strides = array<i32>} : memref<200x64xf32, #tpu.memory_space<vmem>>, vector<1x16xf32>,
        %get3A_177 = vector.shape_cast %get3A_176 : vector<1x16xf32> to vector<16xf32>
        %add3A_178 = arith.addf %add3A_156, %get3A_177 : vector<16xf32>
        %get3A_179 = arith.index_cast %scan3A_173 : i32 to index
        %get3A_180 = arith.constant 16 : index
        %get3A_181 = tpu.vector_load %arg6[%get3A_179, %get3A_180] {strides = array<i32>} : memref<200x64xf32, #tpu.memory_space<vmem>>, vector<1x16xf32>,
        %get3A_182 = vector.shape_cast %get3A_181 : vector<1x16xf32> to vector<16xf32>
        %add3A_183 = arith.addf %add3A_161, %get3A_182 : vector<16xf32>
        %get3A_184 = arith.index_cast %scan3A_173 : i32 to index
        %get3A_185 = arith.constant 32 : index
        %get3A_186 = tpu.vector_load %arg6[%get3A_184, %get3A_185] {strides = array<i32>} : memref<200x64xf32, #tpu.memory_space<vmem>>, vector<1x16xf32>,
        %get3A_187 = vector.shape_cast %get3A_186 : vector<1x16xf32> to vector<16xf32>
        %add3A_188 = arith.addf %add3A_166, %get3A_187 : vector<16xf32>
        %get3A_189 = arith.index_cast %scan3A_173 : i32 to index
        %get3A_190 = arith.constant 48 : index
        %get3A_191 = tpu.vector_load %arg6[%get3A_189, %get3A_190] {strides = array<i32>} : memref<200x64xf32, #tpu.memory_space<vmem>>, vector<1x16xf32>,
        %get3A_192 = vector.shape_cast %get3A_191 : vector<1x16xf32> to vector<16xf32>
        %add3A_193 = arith.addf %add3A_171, %get3A_192 : vector<16xf32>
        %scan3A_194 = arith.constant 3 : i32
        %scan3A_195 = arith.addi %scan3A_126, %scan3A_194 : i32
        %get3A_196 = arith.index_cast %scan3A_195 : i32 to index
        %get3A_197 = arith.constant 0 : index
        %get3A_198 = tpu.vector_load %arg6[%get3A_196, %get3A_197] {strides = array<i32>} : memref<200x64xf32, #tpu.memory_space<vmem>>, vector<1x16xf32>,
        %get3A_199 = vector.shape_cast %get3A_198 : vector<1x16xf32> to vector<16xf32>
        %add3A_200 = arith.addf %add3A_178, %get3A_199 : vector<16xf32>
        %get3A_201 = arith.index_cast %scan3A_195 : i32 to index
        %get3A_202 = arith.constant 16 : index
        %get3A_203 = tpu.vector_load %arg6[%get3A_201, %get3A_202] {strides = array<i32>} : memref<200x64xf32, #tpu.memory_space<vmem>>, vector<1x16xf32>,
        %get3A_204 = vector.shape_cast %get3A_203 : vector<1x16xf32> to vector<16xf32>
        %add3A_205 = arith.addf %add3A_183, %get3A_204 : vector<16xf32>
        %get3A_206 = arith.index_cast %scan3A_195 : i32 to index
        %get3A_207 = arith.constant 32 : index
        %get3A_208 = tpu.vector_load %arg6[%get3A_206, %get3A_207] {strides = array<i32>} : memref<200x64xf32, #tpu.memory_space<vmem>>, vector<1x16xf32>,
        %get3A_209 = vector.shape_cast %get3A_208 : vector<1x16xf32> to vector<16xf32>
        %add3A_210 = arith.addf %add3A_188, %get3A_209 : vector<16xf32>
        %get3A_211 = arith.index_cast %scan3A_195 : i32 to index
        %get3A_212 = arith.constant 48 : index
        %get3A_213 = tpu.vector_load %arg6[%get3A_211, %get3A_212] {strides = array<i32>} : memref<200x64xf32, #tpu.memory_space<vmem>>, vector<1x16xf32>,
        %get3A_214 = vector.shape_cast %get3A_213 : vector<1x16xf32> to vector<16xf32>
        %add3A_215 = arith.addf %add3A_193, %get3A_214 : vector<16xf32>
        %scan3A_216 = arith.constant 4 : i32
        %scan3A_217 = arith.addi %scan3A_126, %scan3A_216 : i32
        %get3A_218 = arith.index_cast %scan3A_217 : i32 to index
        %get3A_219 = arith.constant 0 : index
        %get3A_220 = tpu.vector_load %arg6[%get3A_218, %get3A_219] {strides = array<i32>} : memref<200x64xf32, #tpu.memory_space<vmem>>, vector<1x16xf32>,
        %get3A_221 = vector.shape_cast %get3A_220 : vector<1x16xf32> to vector<16xf32>
        %add3A_222 = arith.addf %add3A_200, %get3A_221 : vector<16xf32>
        %get3A_223 = arith.index_cast %scan3A_217 : i32 to index
        %get3A_224 = arith.constant 16 : index
        %get3A_225 = tpu.vector_load %arg6[%get3A_223, %get3A_224] {strides = array<i32>} : memref<200x64xf32, #tpu.memory_space<vmem>>, vector<1x16xf32>,
        %get3A_226 = vector.shape_cast %get3A_225 : vector<1x16xf32> to vector<16xf32>
        %add3A_227 = arith.addf %add3A_205, %get3A_226 : vector<16xf32>
        %get3A_228 = arith.index_cast %scan3A_217 : i32 to index
        %get3A_229 = arith.constant 32 : index
        %get3A_230 = tpu.vector_load %arg6[%get3A_228, %get3A_229] {strides = array<i32>} : memref<200x64xf32, #tpu.memory_space<vmem>>, vector<1x16xf32>,
        %get3A_231 = vector.shape_cast %get3A_230 : vector<1x16xf32> to vector<16xf32>
        %add3A_232 = arith.addf %add3A_210, %get3A_231 : vector<16xf32>
        %get3A_233 = arith.index_cast %scan3A_217 : i32 to index
        %get3A_234 = arith.constant 48 : index
        %get3A_235 = tpu.vector_load %arg6[%get3A_233, %get3A_234] {strides = array<i32>} : memref<200x64xf32, #tpu.memory_space<vmem>>, vector<1x16xf32>,
        %get3A_236 = vector.shape_cast %get3A_235 : vector<1x16xf32> to vector<16xf32>
        %add3A_237 = arith.addf %add3A_215, %get3A_236 : vector<16xf32>
        %scan3A_238 = arith.constant 5 : i32
        %scan3A_239 = arith.addi %scan3A_126, %scan3A_238 : i32
        %get3A_240 = arith.index_cast %scan3A_239 : i32 to index
        %get3A_241 = arith.constant 0 : index
        %get3A_242 = tpu.vector_load %arg6[%get3A_240, %get3A_241] {strides = array<i32>} : memref<200x64xf32, #tpu.memory_space<vmem>>, vector<1x16xf32>,
        %get3A_243 = vector.shape_cast %get3A_242 : vector<1x16xf32> to vector<16xf32>
        %add3A_244 = arith.addf %add3A_222, %get3A_243 : vector<16xf32>
        %get3A_245 = arith.index_cast %scan3A_239 : i32 to index
        %get3A_246 = arith.constant 16 : index
        %get3A_247 = tpu.vector_load %arg6[%get3A_245, %get3A_246] {strides = array<i32>} : memref<200x64xf32, #tpu.memory_space<vmem>>, vector<1x16xf32>,
        %get3A_248 = vector.shape_cast %get3A_247 : vector<1x16xf32> to vector<16xf32>
        %add3A_249 = arith.addf %add3A_227, %get3A_248 : vector<16xf32>
        %get3A_250 = arith.index_cast %scan3A_239 : i32 to index
        %get3A_251 = arith.constant 32 : index
        %get3A_252 = tpu.vector_load %arg6[%get3A_250, %get3A_251] {strides = array<i32>} : memref<200x64xf32, #tpu.memory_space<vmem>>, vector<1x16xf32>,
        %get3A_253 = vector.shape_cast %get3A_252 : vector<1x16xf32> to vector<16xf32>
        %add3A_254 = arith.addf %add3A_232, %get3A_253 : vector<16xf32>
        %get3A_255 = arith.index_cast %scan3A_239 : i32 to index
        %get3A_256 = arith.constant 48 : index
        %get3A_257 = tpu.vector_load %arg6[%get3A_255, %get3A_256] {strides = array<i32>} : memref<200x64xf32, #tpu.memory_space<vmem>>, vector<1x16xf32>,
        %get3A_258 = vector.shape_cast %get3A_257 : vector<1x16xf32> to vector<16xf32>
        %add3A_259 = arith.addf %add3A_237, %get3A_258 : vector<16xf32>
        %scan3A_260 = arith.constant 6 : i32
        %scan3A_261 = arith.addi %scan3A_126, %scan3A_260 : i32
        %get3A_262 = arith.index_cast %scan3A_261 : i32 to index
        %get3A_263 = arith.constant 0 : index
        %get3A_264 = tpu.vector_load %arg6[%get3A_262, %get3A_263] {strides = array<i32>} : memref<200x64xf32, #tpu.memory_space<vmem>>, vector<1x16xf32>,
        %get3A_265 = vector.shape_cast %get3A_264 : vector<1x16xf32> to vector<16xf32>
        %add3A_266 = arith.addf %add3A_244, %get3A_265 : vector<16xf32>
        %get3A_267 = arith.index_cast %scan3A_261 : i32 to index
        %get3A_268 = arith.constant 16 : index
        %get3A_269 = tpu.vector_load %arg6[%get3A_267, %get3A_268] {strides = array<i32>} : memref<200x64xf32, #tpu.memory_space<vmem>>, vector<1x16xf32>,
        %get3A_270 = vector.shape_cast %get3A_269 : vector<1x16xf32> to vector<16xf32>
        %add3A_271 = arith.addf %add3A_249, %get3A_270 : vector<16xf32>
        %get3A_272 = arith.index_cast %scan3A_261 : i32 to index
        %get3A_273 = arith.constant 32 : index
        %get3A_274 = tpu.vector_load %arg6[%get3A_272, %get3A_273] {strides = array<i32>} : memref<200x64xf32, #tpu.memory_space<vmem>>, vector<1x16xf32>,
        %get3A_275 = vector.shape_cast %get3A_274 : vector<1x16xf32> to vector<16xf32>
        %add3A_276 = arith.addf %add3A_254, %get3A_275 : vector<16xf32>
        %get3A_277 = arith.index_cast %scan3A_261 : i32 to index
        %get3A_278 = arith.constant 48 : index
        %get3A_279 = tpu.vector_load %arg6[%get3A_277, %get3A_278] {strides = array<i32>} : memref<200x64xf32, #tpu.memory_space<vmem>>, vector<1x16xf32>,
        %get3A_280 = vector.shape_cast %get3A_279 : vector<1x16xf32> to vector<16xf32>
        %add3A_281 = arith.addf %add3A_259, %get3A_280 : vector<16xf32>
        %scan3A_282 = arith.constant 7 : i32
        %scan3A_283 = arith.addi %scan3A_126, %scan3A_282 : i32
        %get3A_284 = arith.index_cast %scan3A_283 : i32 to index
        %get3A_285 = arith.constant 0 : index
        %get3A_286 = tpu.vector_load %arg6[%get3A_284, %get3A_285] {strides = array<i32>} : memref<200x64xf32, #tpu.memory_space<vmem>>, vector<1x16xf32>,
        %get3A_287 = vector.shape_cast %get3A_286 : vector<1x16xf32> to vector<16xf32>
        %add3A_288 = arith.addf %add3A_266, %get3A_287 : vector<16xf32>
        %get3A_289 = arith.index_cast %scan3A_283 : i32 to index
        %get3A_290 = arith.constant 16 : index
        %get3A_291 = tpu.vector_load %arg6[%get3A_289, %get3A_290] {strides = array<i32>} : memref<200x64xf32, #tpu.memory_space<vmem>>, vector<1x16xf32>,
        %get3A_292 = vector.shape_cast %get3A_291 : vector<1x16xf32> to vector<16xf32>
        %add3A_293 = arith.addf %add3A_271, %get3A_292 : vector<16xf32>
        %get3A_294 = arith.index_cast %scan3A_283 : i32 to index
        %get3A_295 = arith.constant 32 : index
        %get3A_296 = tpu.vector_load %arg6[%get3A_294, %get3A_295] {strides = array<i32>} : memref<200x64xf32, #tpu.memory_space<vmem>>, vector<1x16xf32>,
        %get3A_297 = vector.shape_cast %get3A_296 : vector<1x16xf32> to vector<16xf32>
        %add3A_298 = arith.addf %add3A_276, %get3A_297 : vector<16xf32>
        %get3A_299 = arith.index_cast %scan3A_283 : i32 to index
        %get3A_300 = arith.constant 48 : index
        %get3A_301 = tpu.vector_load %arg6[%get3A_299, %get3A_300] {strides = array<i32>} : memref<200x64xf32, #tpu.memory_space<vmem>>, vector<1x16xf32>,
        %get3A_302 = vector.shape_cast %get3A_301 : vector<1x16xf32> to vector<16xf32>
        %add3A_303 = arith.addf %add3A_281, %get3A_302 : vector<16xf32>
        scf.yield %add3A_288, %add3A_293, %add3A_298, %add3A_303 : vector<16xf32>, vector<16xf32>, vector<16xf32>, vector<16xf32>
      }
      %scan3A_41 = arith.constant 200 : i32
      %lt3A = arith.constant 63 : i32
      %lt3A_42 = arith.cmpi slt, %scan3A_26, %lt3A : i32
      %convert_element_type3A = arith.extui %lt3A_42 : i1 to i32
      %cond3A = arith.constant 0 : i32
      %cond3A_43 = arith.cmpi ne, %convert_element_type3A, %cond3A : i32
      scf.if %cond3A_43 {
        %add3A_126 = arith.constant 2 : i32
        %add3A_127 = arith.addi %mul3A_29, %add3A_126 : i32
        %dma_start3A_128 = arith.constant 0 : i32
        %dma_start3A_129 = tpu.memref_slice %arg5[%add3A_127, %dma_start3A_128] : memref<128x200xi32, #tpu.memory_space<vmem>> -> memref<1x200xi32, #tpu.memory_space<vmem>>
        %dma_start3A_130 = tpu.memref_squeeze %dma_start3A_129 : memref<1x200xi32, #tpu.memory_space<vmem>> -> memref<200xi32, #tpu.memory_space<vmem>>
        %dma_start3A_131 = arith.constant 0 : i32
        %dma_start3A_132 = arith.constant 0 : i32
        %dma_start3A_133 = tpu.memref_slice %arg3[%dma_start3A_131, %dma_start3A_132] : memref<1000000x64xf32, #tpu.memory_space<hbm>> -> memref<1000000x64xf32, #tpu.memory_space<hbm>>
        tpu.enqueue_indirect_dma source(%dma_start3A_133 : memref<1000000x64xf32, #tpu.memory_space<hbm>>) target(%arg6 : memref<200x64xf32, #tpu.memory_space<vmem>>) offsets(%dma_start3A_130 : memref<200xi32, #tpu.memory_space<vmem>>) semaphore(%arg9 : memref<!tpu.dma_semaphore, #tpu.memory_space<semaphore_mem>>)
      } else {
      }
      %mul3A_44 = vector.broadcast %scan3A : f32 to vector<16xf32>
      %mul3A_45 = arith.mulf %scan3A_40#0, %mul3A_44 : vector<16xf32>
      %swap3A = arith.index_cast %mul3A_29 : i32 to index
      %swap3A_46 = arith.constant 0 : index
      %swap3A_47 = tpu.vector_load %arg8[%swap3A, %swap3A_46] {strides = array<i32>} : memref<128x64xf32, #tpu.memory_space<vmem>>, vector<1x16xf32>,
      %swap3A_48 = vector.shape_cast %swap3A_47 : vector<1x16xf32> to vector<16xf32>
      %swap3A_49 = vector.shape_cast %mul3A_45 : vector<16xf32> to vector<1x16xf32>
      tpu.vector_store %arg8[%swap3A, %swap3A_46], %swap3A_49 {strides = array<i32>} : memref<128x64xf32, #tpu.memory_space<vmem>>, vector<1x16xf32>,
      %mul3A_50 = vector.broadcast %scan3A : f32 to vector<16xf32>
      %mul3A_51 = arith.mulf %scan3A_40#1, %mul3A_50 : vector<16xf32>
      %swap3A_52 = arith.index_cast %mul3A_29 : i32 to index
      %swap3A_53 = arith.constant 16 : index
      %swap3A_54 = tpu.vector_load %arg8[%swap3A_52, %swap3A_53] {strides = array<i32>} : memref<128x64xf32, #tpu.memory_space<vmem>>, vector<1x16xf32>,
      %swap3A_55 = vector.shape_cast %swap3A_54 : vector<1x16xf32> to vector<16xf32>
      %swap3A_56 = vector.shape_cast %mul3A_51 : vector<16xf32> to vector<1x16xf32>
      tpu.vector_store %arg8[%swap3A_52, %swap3A_53], %swap3A_56 {strides = array<i32>} : memref<128x64xf32, #tpu.memory_space<vmem>>, vector<1x16xf32>,
      %mul3A_57 = vector.broadcast %scan3A : f32 to vector<16xf32>
      %mul3A_58 = arith.mulf %scan3A_40#2, %mul3A_57 : vector<16xf32>
      %swap3A_59 = arith.index_cast %mul3A_29 : i32 to index
      %swap3A_60 = arith.constant 32 : index
      %swap3A_61 = tpu.vector_load %arg8[%swap3A_59, %swap3A_60] {strides = array<i32>} : memref<128x64xf32, #tpu.memory_space<vmem>>, vector<1x16xf32>,
      %swap3A_62 = vector.shape_cast %swap3A_61 : vector<1x16xf32> to vector<16xf32>
      %swap3A_63 = vector.shape_cast %mul3A_58 : vector<16xf32> to vector<1x16xf32>
      tpu.vector_store %arg8[%swap3A_59, %swap3A_60], %swap3A_63 {strides = array<i32>} : memref<128x64xf32, #tpu.memory_space<vmem>>, vector<1x16xf32>,
      %mul3A_64 = vector.broadcast %scan3A : f32 to vector<16xf32>
      %mul3A_65 = arith.mulf %scan3A_40#3, %mul3A_64 : vector<16xf32>
      %swap3A_66 = arith.index_cast %mul3A_29 : i32 to index
      %swap3A_67 = arith.constant 48 : index
      %swap3A_68 = tpu.vector_load %arg8[%swap3A_66, %swap3A_67] {strides = array<i32>} : memref<128x64xf32, #tpu.memory_space<vmem>>, vector<1x16xf32>,
      %swap3A_69 = vector.shape_cast %swap3A_68 : vector<1x16xf32> to vector<16xf32>
      %swap3A_70 = vector.shape_cast %mul3A_65 : vector<16xf32> to vector<1x16xf32>
      tpu.vector_store %arg8[%swap3A_66, %swap3A_67], %swap3A_70 {strides = array<i32>} : memref<128x64xf32, #tpu.memory_space<vmem>>, vector<1x16xf32>,
      %dma_wait3A_71 = arith.constant 1 : i32
      %dma_wait3A_72 = arith.constant 0 : i32
      %dma_wait3A_73 = tpu.memref_slice %arg5[%dma_wait3A_71, %dma_wait3A_72] : memref<128x200xi32, #tpu.memory_space<vmem>> -> memref<1x200xi32, #tpu.memory_space<vmem>>
      %dma_wait3A_74 = tpu.memref_squeeze %dma_wait3A_73 : memref<1x200xi32, #tpu.memory_space<vmem>> -> memref<200xi32, #tpu.memory_space<vmem>>
      %dma_wait3A_75 = arith.constant 0 : i32
      %dma_wait3A_76 = arith.constant 0 : i32
      %dma_wait3A_77 = tpu.memref_slice %arg3[%dma_wait3A_75, %dma_wait3A_76] : memref<1000000x64xf32, #tpu.memory_space<hbm>> -> memref<1000000x64xf32, #tpu.memory_space<hbm>>
      tpu.wait_indirect_dma semaphore(%arg10 : memref<!tpu.dma_semaphore, #tpu.memory_space<semaphore_mem>>) src(%dma_wait3A_77 : memref<1000000x64xf32, #tpu.memory_space<hbm>>) dst(%arg7 : memref<200x64xf32, #tpu.memory_space<vmem>>)
      %scan3A_78 = arith.constant 0 : i32
      %scan3A_79 = arith.constant 200 : i32
      %scan3A_80 = arith.addi %scan3A_78, %scan3A_79 : i32
      %scan3A_81 = arith.constant 8 : i32
      %scan3A_82:4 = scf.for %scan3A_126 = %scan3A_78 to %scan3A_80 step %scan3A_81 iter_args(%scan3A_127 = %broadcast_in_dim3A_16, %scan3A_128 = %broadcast_in_dim3A_16, %scan3A_129 = %broadcast_in_dim3A_16, %scan3A_130 = %broadcast_in_dim3A_16) -> (vector<16xf32>, vector<16xf32>, vector<16xf32>, vector<16xf32>)  : i32 {
        %get3A = arith.index_cast %scan3A_126 : i32 to index
        %get3A_131 = arith.constant 0 : index
        %get3A_132 = tpu.vector_load %arg7[%get3A, %get3A_131] {strides = array<i32>} : memref<200x64xf32, #tpu.memory_space<vmem>>, vector<1x16xf32>,
        %get3A_133 = vector.shape_cast %get3A_132 : vector<1x16xf32> to vector<16xf32>
        %add3A_134 = arith.addf %scan3A_127, %get3A_133 : vector<16xf32>
        %get3A_135 = arith.index_cast %scan3A_126 : i32 to index
        %get3A_136 = arith.constant 16 : index
        %get3A_137 = tpu.vector_load %arg7[%get3A_135, %get3A_136] {strides = array<i32>} : memref<200x64xf32, #tpu.memory_space<vmem>>, vector<1x16xf32>,
        %get3A_138 = vector.shape_cast %get3A_137 : vector<1x16xf32> to vector<16xf32>
        %add3A_139 = arith.addf %scan3A_128, %get3A_138 : vector<16xf32>
        %get3A_140 = arith.index_cast %scan3A_126 : i32 to index
        %get3A_141 = arith.constant 32 : index
        %get3A_142 = tpu.vector_load %arg7[%get3A_140, %get3A_141] {strides = array<i32>} : memref<200x64xf32, #tpu.memory_space<vmem>>, vector<1x16xf32>,
        %get3A_143 = vector.shape_cast %get3A_142 : vector<1x16xf32> to vector<16xf32>
        %add3A_144 = arith.addf %scan3A_129, %get3A_143 : vector<16xf32>
        %get3A_145 = arith.index_cast %scan3A_126 : i32 to index
        %get3A_146 = arith.constant 48 : index
        %get3A_147 = tpu.vector_load %arg7[%get3A_145, %get3A_146] {strides = array<i32>} : memref<200x64xf32, #tpu.memory_space<vmem>>, vector<1x16xf32>,
        %get3A_148 = vector.shape_cast %get3A_147 : vector<1x16xf32> to vector<16xf32>
        %add3A_149 = arith.addf %scan3A_130, %get3A_148 : vector<16xf32>
        %scan3A_150 = arith.constant 1 : i32
        %scan3A_151 = arith.addi %scan3A_126, %scan3A_150 : i32
        %get3A_152 = arith.index_cast %scan3A_151 : i32 to index
        %get3A_153 = arith.constant 0 : index
        %get3A_154 = tpu.vector_load %arg7[%get3A_152, %get3A_153] {strides = array<i32>} : memref<200x64xf32, #tpu.memory_space<vmem>>, vector<1x16xf32>,
        %get3A_155 = vector.shape_cast %get3A_154 : vector<1x16xf32> to vector<16xf32>
        %add3A_156 = arith.addf %add3A_134, %get3A_155 : vector<16xf32>
        %get3A_157 = arith.index_cast %scan3A_151 : i32 to index
        %get3A_158 = arith.constant 16 : index
        %get3A_159 = tpu.vector_load %arg7[%get3A_157, %get3A_158] {strides = array<i32>} : memref<200x64xf32, #tpu.memory_space<vmem>>, vector<1x16xf32>,
        %get3A_160 = vector.shape_cast %get3A_159 : vector<1x16xf32> to vector<16xf32>
        %add3A_161 = arith.addf %add3A_139, %get3A_160 : vector<16xf32>
        %get3A_162 = arith.index_cast %scan3A_151 : i32 to index
        %get3A_163 = arith.constant 32 : index
        %get3A_164 = tpu.vector_load %arg7[%get3A_162, %get3A_163] {strides = array<i32>} : memref<200x64xf32, #tpu.memory_space<vmem>>, vector<1x16xf32>,
        %get3A_165 = vector.shape_cast %get3A_164 : vector<1x16xf32> to vector<16xf32>
        %add3A_166 = arith.addf %add3A_144, %get3A_165 : vector<16xf32>
        %get3A_167 = arith.index_cast %scan3A_151 : i32 to index
        %get3A_168 = arith.constant 48 : index
        %get3A_169 = tpu.vector_load %arg7[%get3A_167, %get3A_168] {strides = array<i32>} : memref<200x64xf32, #tpu.memory_space<vmem>>, vector<1x16xf32>,
        %get3A_170 = vector.shape_cast %get3A_169 : vector<1x16xf32> to vector<16xf32>
        %add3A_171 = arith.addf %add3A_149, %get3A_170 : vector<16xf32>
        %scan3A_172 = arith.constant 2 : i32
        %scan3A_173 = arith.addi %scan3A_126, %scan3A_172 : i32
        %get3A_174 = arith.index_cast %scan3A_173 : i32 to index
        %get3A_175 = arith.constant 0 : index
        %get3A_176 = tpu.vector_load %arg7[%get3A_174, %get3A_175] {strides = array<i32>} : memref<200x64xf32, #tpu.memory_space<vmem>>, vector<1x16xf32>,
        %get3A_177 = vector.shape_cast %get3A_176 : vector<1x16xf32> to vector<16xf32>
        %add3A_178 = arith.addf %add3A_156, %get3A_177 : vector<16xf32>
        %get3A_179 = arith.index_cast %scan3A_173 : i32 to index
        %get3A_180 = arith.constant 16 : index
        %get3A_181 = tpu.vector_load %arg7[%get3A_179, %get3A_180] {strides = array<i32>} : memref<200x64xf32, #tpu.memory_space<vmem>>, vector<1x16xf32>,
        %get3A_182 = vector.shape_cast %get3A_181 : vector<1x16xf32> to vector<16xf32>
        %add3A_183 = arith.addf %add3A_161, %get3A_182 : vector<16xf32>
        %get3A_184 = arith.index_cast %scan3A_173 : i32 to index
        %get3A_185 = arith.constant 32 : index
        %get3A_186 = tpu.vector_load %arg7[%get3A_184, %get3A_185] {strides = array<i32>} : memref<200x64xf32, #tpu.memory_space<vmem>>, vector<1x16xf32>,
        %get3A_187 = vector.shape_cast %get3A_186 : vector<1x16xf32> to vector<16xf32>
        %add3A_188 = arith.addf %add3A_166, %get3A_187 : vector<16xf32>
        %get3A_189 = arith.index_cast %scan3A_173 : i32 to index
        %get3A_190 = arith.constant 48 : index
        %get3A_191 = tpu.vector_load %arg7[%get3A_189, %get3A_190] {strides = array<i32>} : memref<200x64xf32, #tpu.memory_space<vmem>>, vector<1x16xf32>,
        %get3A_192 = vector.shape_cast %get3A_191 : vector<1x16xf32> to vector<16xf32>
        %add3A_193 = arith.addf %add3A_171, %get3A_192 : vector<16xf32>
        %scan3A_194 = arith.constant 3 : i32
        %scan3A_195 = arith.addi %scan3A_126, %scan3A_194 : i32
        %get3A_196 = arith.index_cast %scan3A_195 : i32 to index
        %get3A_197 = arith.constant 0 : index
        %get3A_198 = tpu.vector_load %arg7[%get3A_196, %get3A_197] {strides = array<i32>} : memref<200x64xf32, #tpu.memory_space<vmem>>, vector<1x16xf32>,
        %get3A_199 = vector.shape_cast %get3A_198 : vector<1x16xf32> to vector<16xf32>
        %add3A_200 = arith.addf %add3A_178, %get3A_199 : vector<16xf32>
        %get3A_201 = arith.index_cast %scan3A_195 : i32 to index
        %get3A_202 = arith.constant 16 : index
        %get3A_203 = tpu.vector_load %arg7[%get3A_201, %get3A_202] {strides = array<i32>} : memref<200x64xf32, #tpu.memory_space<vmem>>, vector<1x16xf32>,
        %get3A_204 = vector.shape_cast %get3A_203 : vector<1x16xf32> to vector<16xf32>
        %add3A_205 = arith.addf %add3A_183, %get3A_204 : vector<16xf32>
        %get3A_206 = arith.index_cast %scan3A_195 : i32 to index
        %get3A_207 = arith.constant 32 : index
        %get3A_208 = tpu.vector_load %arg7[%get3A_206, %get3A_207] {strides = array<i32>} : memref<200x64xf32, #tpu.memory_space<vmem>>, vector<1x16xf32>,
        %get3A_209 = vector.shape_cast %get3A_208 : vector<1x16xf32> to vector<16xf32>
        %add3A_210 = arith.addf %add3A_188, %get3A_209 : vector<16xf32>
        %get3A_211 = arith.index_cast %scan3A_195 : i32 to index
        %get3A_212 = arith.constant 48 : index
        %get3A_213 = tpu.vector_load %arg7[%get3A_211, %get3A_212] {strides = array<i32>} : memref<200x64xf32, #tpu.memory_space<vmem>>, vector<1x16xf32>,
        %get3A_214 = vector.shape_cast %get3A_213 : vector<1x16xf32> to vector<16xf32>
        %add3A_215 = arith.addf %add3A_193, %get3A_214 : vector<16xf32>
        %scan3A_216 = arith.constant 4 : i32
        %scan3A_217 = arith.addi %scan3A_126, %scan3A_216 : i32
        %get3A_218 = arith.index_cast %scan3A_217 : i32 to index
        %get3A_219 = arith.constant 0 : index
        %get3A_220 = tpu.vector_load %arg7[%get3A_218, %get3A_219] {strides = array<i32>} : memref<200x64xf32, #tpu.memory_space<vmem>>, vector<1x16xf32>,
        %get3A_221 = vector.shape_cast %get3A_220 : vector<1x16xf32> to vector<16xf32>
        %add3A_222 = arith.addf %add3A_200, %get3A_221 : vector<16xf32>
        %get3A_223 = arith.index_cast %scan3A_217 : i32 to index
        %get3A_224 = arith.constant 16 : index
        %get3A_225 = tpu.vector_load %arg7[%get3A_223, %get3A_224] {strides = array<i32>} : memref<200x64xf32, #tpu.memory_space<vmem>>, vector<1x16xf32>,
        %get3A_226 = vector.shape_cast %get3A_225 : vector<1x16xf32> to vector<16xf32>
        %add3A_227 = arith.addf %add3A_205, %get3A_226 : vector<16xf32>
        %get3A_228 = arith.index_cast %scan3A_217 : i32 to index
        %get3A_229 = arith.constant 32 : index
        %get3A_230 = tpu.vector_load %arg7[%get3A_228, %get3A_229] {strides = array<i32>} : memref<200x64xf32, #tpu.memory_space<vmem>>, vector<1x16xf32>,
        %get3A_231 = vector.shape_cast %get3A_230 : vector<1x16xf32> to vector<16xf32>
        %add3A_232 = arith.addf %add3A_210, %get3A_231 : vector<16xf32>
        %get3A_233 = arith.index_cast %scan3A_217 : i32 to index
        %get3A_234 = arith.constant 48 : index
        %get3A_235 = tpu.vector_load %arg7[%get3A_233, %get3A_234] {strides = array<i32>} : memref<200x64xf32, #tpu.memory_space<vmem>>, vector<1x16xf32>,
        %get3A_236 = vector.shape_cast %get3A_235 : vector<1x16xf32> to vector<16xf32>
        %add3A_237 = arith.addf %add3A_215, %get3A_236 : vector<16xf32>
        %scan3A_238 = arith.constant 5 : i32
        %scan3A_239 = arith.addi %scan3A_126, %scan3A_238 : i32
        %get3A_240 = arith.index_cast %scan3A_239 : i32 to index
        %get3A_241 = arith.constant 0 : index
        %get3A_242 = tpu.vector_load %arg7[%get3A_240, %get3A_241] {strides = array<i32>} : memref<200x64xf32, #tpu.memory_space<vmem>>, vector<1x16xf32>,
        %get3A_243 = vector.shape_cast %get3A_242 : vector<1x16xf32> to vector<16xf32>
        %add3A_244 = arith.addf %add3A_222, %get3A_243 : vector<16xf32>
        %get3A_245 = arith.index_cast %scan3A_239 : i32 to index
        %get3A_246 = arith.constant 16 : index
        %get3A_247 = tpu.vector_load %arg7[%get3A_245, %get3A_246] {strides = array<i32>} : memref<200x64xf32, #tpu.memory_space<vmem>>, vector<1x16xf32>,
        %get3A_248 = vector.shape_cast %get3A_247 : vector<1x16xf32> to vector<16xf32>
        %add3A_249 = arith.addf %add3A_227, %get3A_248 : vector<16xf32>
        %get3A_250 = arith.index_cast %scan3A_239 : i32 to index
        %get3A_251 = arith.constant 32 : index
        %get3A_252 = tpu.vector_load %arg7[%get3A_250, %get3A_251] {strides = array<i32>} : memref<200x64xf32, #tpu.memory_space<vmem>>, vector<1x16xf32>,
        %get3A_253 = vector.shape_cast %get3A_252 : vector<1x16xf32> to vector<16xf32>
        %add3A_254 = arith.addf %add3A_232, %get3A_253 : vector<16xf32>
        %get3A_255 = arith.index_cast %scan3A_239 : i32 to index
        %get3A_256 = arith.constant 48 : index
        %get3A_257 = tpu.vector_load %arg7[%get3A_255, %get3A_256] {strides = array<i32>} : memref<200x64xf32, #tpu.memory_space<vmem>>, vector<1x16xf32>,
        %get3A_258 = vector.shape_cast %get3A_257 : vector<1x16xf32> to vector<16xf32>
        %add3A_259 = arith.addf %add3A_237, %get3A_258 : vector<16xf32>
        %scan3A_260 = arith.constant 6 : i32
        %scan3A_261 = arith.addi %scan3A_126, %scan3A_260 : i32
        %get3A_262 = arith.index_cast %scan3A_261 : i32 to index
        %get3A_263 = arith.constant 0 : index
        %get3A_264 = tpu.vector_load %arg7[%get3A_262, %get3A_263] {strides = array<i32>} : memref<200x64xf32, #tpu.memory_space<vmem>>, vector<1x16xf32>,
        %get3A_265 = vector.shape_cast %get3A_264 : vector<1x16xf32> to vector<16xf32>
        %add3A_266 = arith.addf %add3A_244, %get3A_265 : vector<16xf32>
        %get3A_267 = arith.index_cast %scan3A_261 : i32 to index
        %get3A_268 = arith.constant 16 : index
        %get3A_269 = tpu.vector_load %arg7[%get3A_267, %get3A_268] {strides = array<i32>} : memref<200x64xf32, #tpu.memory_space<vmem>>, vector<1x16xf32>,
        %get3A_270 = vector.shape_cast %get3A_269 : vector<1x16xf32> to vector<16xf32>
        %add3A_271 = arith.addf %add3A_249, %get3A_270 : vector<16xf32>
        %get3A_272 = arith.index_cast %scan3A_261 : i32 to index
        %get3A_273 = arith.constant 32 : index
        %get3A_274 = tpu.vector_load %arg7[%get3A_272, %get3A_273] {strides = array<i32>} : memref<200x64xf32, #tpu.memory_space<vmem>>, vector<1x16xf32>,
        %get3A_275 = vector.shape_cast %get3A_274 : vector<1x16xf32> to vector<16xf32>
        %add3A_276 = arith.addf %add3A_254, %get3A_275 : vector<16xf32>
        %get3A_277 = arith.index_cast %scan3A_261 : i32 to index
        %get3A_278 = arith.constant 48 : index
        %get3A_279 = tpu.vector_load %arg7[%get3A_277, %get3A_278] {strides = array<i32>} : memref<200x64xf32, #tpu.memory_space<vmem>>, vector<1x16xf32>,
        %get3A_280 = vector.shape_cast %get3A_279 : vector<1x16xf32> to vector<16xf32>
        %add3A_281 = arith.addf %add3A_259, %get3A_280 : vector<16xf32>
        %scan3A_282 = arith.constant 7 : i32
        %scan3A_283 = arith.addi %scan3A_126, %scan3A_282 : i32
        %get3A_284 = arith.index_cast %scan3A_283 : i32 to index
        %get3A_285 = arith.constant 0 : index
        %get3A_286 = tpu.vector_load %arg7[%get3A_284, %get3A_285] {strides = array<i32>} : memref<200x64xf32, #tpu.memory_space<vmem>>, vector<1x16xf32>,
        %get3A_287 = vector.shape_cast %get3A_286 : vector<1x16xf32> to vector<16xf32>
        %add3A_288 = arith.addf %add3A_266, %get3A_287 : vector<16xf32>
        %get3A_289 = arith.index_cast %scan3A_283 : i32 to index
        %get3A_290 = arith.constant 16 : index
        %get3A_291 = tpu.vector_load %arg7[%get3A_289, %get3A_290] {strides = array<i32>} : memref<200x64xf32, #tpu.memory_space<vmem>>, vector<1x16xf32>,
        %get3A_292 = vector.shape_cast %get3A_291 : vector<1x16xf32> to vector<16xf32>
        %add3A_293 = arith.addf %add3A_271, %get3A_292 : vector<16xf32>
        %get3A_294 = arith.index_cast %scan3A_283 : i32 to index
        %get3A_295 = arith.constant 32 : index
        %get3A_296 = tpu.vector_load %arg7[%get3A_294, %get3A_295] {strides = array<i32>} : memref<200x64xf32, #tpu.memory_space<vmem>>, vector<1x16xf32>,
        %get3A_297 = vector.shape_cast %get3A_296 : vector<1x16xf32> to vector<16xf32>
        %add3A_298 = arith.addf %add3A_276, %get3A_297 : vector<16xf32>
        %get3A_299 = arith.index_cast %scan3A_283 : i32 to index
        %get3A_300 = arith.constant 48 : index
        %get3A_301 = tpu.vector_load %arg7[%get3A_299, %get3A_300] {strides = array<i32>} : memref<200x64xf32, #tpu.memory_space<vmem>>, vector<1x16xf32>,
        %get3A_302 = vector.shape_cast %get3A_301 : vector<1x16xf32> to vector<16xf32>
        %add3A_303 = arith.addf %add3A_281, %get3A_302 : vector<16xf32>
        scf.yield %add3A_288, %add3A_293, %add3A_298, %add3A_303 : vector<16xf32>, vector<16xf32>, vector<16xf32>, vector<16xf32>
      }
      %scan3A_83 = arith.constant 200 : i32
      %lt3A_84 = arith.constant 63 : i32
      %lt3A_85 = arith.cmpi slt, %scan3A_26, %lt3A_84 : i32
      %convert_element_type3A_86 = arith.extui %lt3A_85 : i1 to i32
      %cond3A_87 = arith.constant 0 : i32
      %cond3A_88 = arith.cmpi ne, %convert_element_type3A_86, %cond3A_87 : i32
      scf.if %cond3A_88 {
        %add3A_126 = arith.constant 3 : i32
        %add3A_127 = arith.addi %mul3A_29, %add3A_126 : i32
        %dma_start3A_128 = arith.constant 0 : i32
        %dma_start3A_129 = tpu.memref_slice %arg5[%add3A_127, %dma_start3A_128] : memref<128x200xi32, #tpu.memory_space<vmem>> -> memref<1x200xi32, #tpu.memory_space<vmem>>
        %dma_start3A_130 = tpu.memref_squeeze %dma_start3A_129 : memref<1x200xi32, #tpu.memory_space<vmem>> -> memref<200xi32, #tpu.memory_space<vmem>>
        %dma_start3A_131 = arith.constant 0 : i32
        %dma_start3A_132 = arith.constant 0 : i32
        %dma_start3A_133 = tpu.memref_slice %arg3[%dma_start3A_131, %dma_start3A_132] : memref<1000000x64xf32, #tpu.memory_space<hbm>> -> memref<1000000x64xf32, #tpu.memory_space<hbm>>
        tpu.enqueue_indirect_dma source(%dma_start3A_133 : memref<1000000x64xf32, #tpu.memory_space<hbm>>) target(%arg7 : memref<200x64xf32, #tpu.memory_space<vmem>>) offsets(%dma_start3A_130 : memref<200xi32, #tpu.memory_space<vmem>>) semaphore(%arg10 : memref<!tpu.dma_semaphore, #tpu.memory_space<semaphore_mem>>)
      } else {
      }
      %mul3A_89 = vector.broadcast %scan3A : f32 to vector<16xf32>
      %mul3A_90 = arith.mulf %scan3A_82#0, %mul3A_89 : vector<16xf32>
      %add3A_91 = arith.constant 1 : i32
      %add3A_92 = arith.addi %mul3A_29, %add3A_91 : i32
      %swap3A_93 = arith.index_cast %add3A_92 : i32 to index
      %swap3A_94 = arith.constant 0 : index
      %swap3A_95 = tpu.vector_load %arg8[%swap3A_93, %swap3A_94] {strides = array<i32>} : memref<128x64xf32, #tpu.memory_space<vmem>>, vector<1x16xf32>,
      %swap3A_96 = vector.shape_cast %swap3A_95 : vector<1x16xf32> to vector<16xf32>
      %swap3A_97 = vector.shape_cast %mul3A_90 : vector<16xf32> to vector<1x16xf32>
      tpu.vector_store %arg8[%swap3A_93, %swap3A_94], %swap3A_97 {strides = array<i32>} : memref<128x64xf32, #tpu.memory_space<vmem>>, vector<1x16xf32>,
      %mul3A_98 = vector.broadcast %scan3A : f32 to vector<16xf32>
      %mul3A_99 = arith.mulf %scan3A_82#1, %mul3A_98 : vector<16xf32>
      %add3A_100 = arith.constant 1 : i32
      %add3A_101 = arith.addi %mul3A_29, %add3A_100 : i32
      %swap3A_102 = arith.index_cast %add3A_101 : i32 to index
      %swap3A_103 = arith.constant 16 : index
      %swap3A_104 = tpu.vector_load %arg8[%swap3A_102, %swap3A_103] {strides = array<i32>} : memref<128x64xf32, #tpu.memory_space<vmem>>, vector<1x16xf32>,
      %swap3A_105 = vector.shape_cast %swap3A_104 : vector<1x16xf32> to vector<16xf32>
      %swap3A_106 = vector.shape_cast %mul3A_99 : vector<16xf32> to vector<1x16xf32>
      tpu.vector_store %arg8[%swap3A_102, %swap3A_103], %swap3A_106 {strides = array<i32>} : memref<128x64xf32, #tpu.memory_space<vmem>>, vector<1x16xf32>,
      %mul3A_107 = vector.broadcast %scan3A : f32 to vector<16xf32>
      %mul3A_108 = arith.mulf %scan3A_82#2, %mul3A_107 : vector<16xf32>
      %add3A_109 = arith.constant 1 : i32
      %add3A_110 = arith.addi %mul3A_29, %add3A_109 : i32
      %swap3A_111 = arith.index_cast %add3A_110 : i32 to index
      %swap3A_112 = arith.constant 32 : index
      %swap3A_113 = tpu.vector_load %arg8[%swap3A_111, %swap3A_112] {strides = array<i32>} : memref<128x64xf32, #tpu.memory_space<vmem>>, vector<1x16xf32>,
      %swap3A_114 = vector.shape_cast %swap3A_113 : vector<1x16xf32> to vector<16xf32>
      %swap3A_115 = vector.shape_cast %mul3A_108 : vector<16xf32> to vector<1x16xf32>
      tpu.vector_store %arg8[%swap3A_111, %swap3A_112], %swap3A_115 {strides = array<i32>} : memref<128x64xf32, #tpu.memory_space<vmem>>, vector<1x16xf32>,
      %mul3A_116 = vector.broadcast %scan3A : f32 to vector<16xf32>
      %mul3A_117 = arith.mulf %scan3A_82#3, %mul3A_116 : vector<16xf32>
      %add3A_118 = arith.constant 1 : i32
      %add3A_119 = arith.addi %mul3A_29, %add3A_118 : i32
      %swap3A_120 = arith.index_cast %add3A_119 : i32 to index
      %swap3A_121 = arith.constant 48 : index
      %swap3A_122 = tpu.vector_load %arg8[%swap3A_120, %swap3A_121] {strides = array<i32>} : memref<128x64xf32, #tpu.memory_space<vmem>>, vector<1x16xf32>,
      %swap3A_123 = vector.shape_cast %swap3A_122 : vector<1x16xf32> to vector<16xf32>
      %swap3A_124 = vector.shape_cast %mul3A_117 : vector<16xf32> to vector<1x16xf32>
      tpu.vector_store %arg8[%swap3A_120, %swap3A_121], %swap3A_124 {strides = array<i32>} : memref<128x64xf32, #tpu.memory_space<vmem>>, vector<1x16xf32>,
      %scan3A_125 = arith.constant 0 : i32
      scf.yield %scan3A_125 : i32
    }
    %scan3A_23 = arith.constant 64 : i32
    %mul3A_24 = arith.constant 128 : i32
    %mul3A_25 = arith.muli %add3A, %mul3A_24 : i32
    "tpu.region"() ({
      %run_scoped3A = tpu.sem_alloc : memref<!tpu.dma_semaphore, #tpu.memory_space<semaphore_mem>>
      %dma_start3A_26 = arith.constant 0 : i32
      %dma_start3A_27 = tpu.memref_slice %arg4[%mul3A_25, %dma_start3A_26] : memref<4096x64xf32, #tpu.memory_space<hbm>> -> memref<128x64xf32, #tpu.memory_space<hbm>>
      %dma_start3A_28 = arith.constant 0 : i32
      %dma_start3A_29 = tpu.memref_slice %arg4[%mul3A_25, %dma_start3A_28] : memref<4096x64xf32, #tpu.memory_space<hbm>> -> memref<128x64xf32, #tpu.memory_space<hbm>>
      tpu.enqueue_dma source(%arg8 : memref<128x64xf32, #tpu.memory_space<vmem>>) target(%dma_start3A_29 : memref<128x64xf32, #tpu.memory_space<hbm>>) target_semaphore(%run_scoped3A : memref<!tpu.dma_semaphore, #tpu.memory_space<semaphore_mem>>)
      %dma_wait3A = arith.constant 0 : i32
      %dma_wait3A_30 = tpu.memref_slice %arg4[%mul3A_25, %dma_wait3A] : memref<4096x64xf32, #tpu.memory_space<hbm>> -> memref<128x64xf32, #tpu.memory_space<hbm>>
      %dma_wait3A_31 = arith.constant 0 : i32
      %dma_wait3A_32 = tpu.memref_slice %arg4[%mul3A_25, %dma_wait3A_31] : memref<4096x64xf32, #tpu.memory_space<hbm>> -> memref<128x64xf32, #tpu.memory_space<hbm>>
      tpu.wait_dma2 semaphore(%run_scoped3A : memref<!tpu.dma_semaphore, #tpu.memory_space<semaphore_mem>>) src(%arg8 : memref<128x64xf32, #tpu.memory_space<vmem>>) dst(%dma_wait3A_32 : memref<128x64xf32, #tpu.memory_space<hbm>>)
      tpu.yield
    }) : () -> ()
    return
  }
}

</mosaic_0001>

<sc_bundles>
// kernel: kernel.3.cloned.1.call-start
scs
__scs_entry_jumppad:
0x0: {  	(pc) =	sbr.rel $0x88, $3  }
0x1: {  	(tag) =	ssettag $0x0;
	lr =	simm.s32 $0x1  }
0x2: {  	[smem:$0x3F9F] =	sst lr;
	_ =	strace $0xD0000000  }
0x3: {  	_ = 	snop  }
0x4: {  	_ = 	snop  }
0x5: {  	_ = 	snop  }
0x6: {  	_ = 	snop  }
0x7: {  	_ = 	snop  }
__scs_overlays_trampoline_lowered:
0x8: {  	[smem:$0x3FAE] =	sst s0  }
0x9: {  	[smem:$0x3FAF] =	sst s1  }
0xa: {  	[smem:$0x3FB0] =	sst s2  }
0xb: {  	[smem:$0x3FB1] =	sst s3  }
0xc: {  	[smem:$0x3FB2] =	sst s4  }
0xd: {  	[smem:$0x3FB3] =	sst s5  }
0xe: {  	[smem:$0x3FB4] =	sst s6  }
0xf: {  	[smem:$0x3FB5] =	sst s7  }
0x10: {  	[smem:$0x3FB6] =	sst s8  }
0x11: {  	[smem:$0x3FB7] =	sst s9;
	s0 =	simm.s32 @!p0 $0x0  }
0x12: {  	s1 =	sld [smem:$0x3F9D];
	s0 =	simm.s32 @p0 $0x1  }
0x13: {  	[smem:$0x3FB8] =	sst s0;
	s0 =	simm.s32 @!p1 $0x0  }
0x14: {  	s2 =	sld [smem:$0x3F9C];
	s0 =	simm.s32 @p1 $0x1  }
0x15: {  	[smem:$0x3FB9] =	sst s0;
	s0 =	simm.s32 @!p2 $0x0  }
0x16: {  	s3 =	sld [smem:$0x3FDB];
	s0 =	simm.s32 @p2 $0x1  }
0x17: {  	s4 =	simm.s32 $0x1BF5;
	[smem:$0x3FBB] =	sst s0  }
0x18: {  	s0 =	sld [smem:$0x3F9E];
	_ =	swait.ge [sflag:s4], $0x0  }
0x19: {  	s7 =	sld [smem:$0x3F9F]  }
0x1a: {  	s8 =	sadd.s32 $0xFFFFE003, lr  }
0x1b: {  	s9 =	sadd.s32 $0xFFFFFEF7, lr;
	s5 =	simm.s32 $0xFFFFFFFF;
	p2 =	slt.u32 s8, $0xFFFFF086  }
0x1c: {  	p1 =	slt.u32 s9, $0xF7A;
	s5 =	simm.s32 @!p2 $0x0  }
0x1d: {  	s5 =	simm.s32 @p1 $0x1;
	p0 =	seq.s32 s7, s2  }
0x1e: {  	s7 =	smul.u32 @!p0 $0xF7A, s2;
	p2 =	seq.s32 @!p0 s5, $0x0  }
0x1f: {  	s9 =	smul.u32 $0xF7A, s1;
	s8 =	simm.s32 @!p0 $0x1BF5;
	p2 =	por !p2, p0  }
0x20: {  	[sflag:s8] =	ssyncset.s32 @!p0 $0xFFFFF086;
	s6 =	sadd.s32 @!p0 s3, s7;
	s7 =	simm.s32 @!p0 $0x108  }
0x21: {  	s3 =	sadd.s32 s3, s9;
	s6 =	sadd.s32 @!p0 $0x88, s6;
	s7 =	simm.s32 @p2 $0x1082  }
0x22: {  	[simem:s7], [sflag:s8] =	dma.local @!p0 [hbm:s6], $0xF7A  }
0x23: {  	s9 =	sor.u32 $0xD0000000, s2;
	s6 =	simm.s32 $0x108;
	_ =	swait.ge @!p0 [sflag:s8], $0x0  }
0x24: {  	s3 =	sadd.s32 $0x88, s3;
	s6 =	simm.s32 @!p1 $0x1082;
	[sflag:s4] =	ssyncset.s32 $0xFFFFF086  }
0x25: {  	[simem:s6], [sflag:s4] =	dma.local [hbm:s3], $0xF7A  }
0x26: {  	[smem:$0x3F9F] =	sst s1;
	(tag) =	ssettag s2;
	_ =	strace s9  }
0x27: {  	s1 =	sld [smem:$0x3FAF]  }
0x28: {  	s2 =	sld [smem:$0x3FB0]  }
0x29: {  	s4 =	sld [smem:$0x3FB2]  }
0x2a: {  	p0 =	seq.s32 s5, $0x0;
	s5 =	sld [smem:$0x3FB3]  }
0x2b: {  	s6 =	sld [smem:$0x3FB4]  }
0x2c: {  	s7 =	sld [smem:$0x3FB5]  }
0x2d: {  	s3 =	simm.s32 $0x108;
	s8 =	sld [smem:$0x3FB6]  }
0x2e: {  	s3 =	simm.s32 @!p0 $0x1082;
	s9 =	sld [smem:$0x3FB7]  }
0x2f: {  	lr =	sadd.s32 s0, s3;
	s0 =	sld [smem:$0x3FAE]  }
0x30: {  	s3 =	sld [smem:$0x3FB1]  }
0x31: {  	[smem:$0x3FBA] =	sst s10  }
0x32: {  	s10 =	sld [smem:$0x3FB8];
	_ =	sdelay $0x3  }
0x33: {  	p0 =	seq.s32 s10, $0x1;
	s10 =	sld [smem:$0x3FBA];
	_ =	sdelay $0x3  }
0x34: {  	[smem:$0x3FBA] =	sst s10  }
0x35: {  	s10 =	sld [smem:$0x3FB9];
	_ =	sdelay $0x3  }
0x36: {  	p1 =	seq.s32 s10, $0x1;
	s10 =	sld [smem:$0x3FBA];
	_ =	sdelay $0x3  }
0x37: {  	[smem:$0x3FBA] =	sst s10  }
0x38: {  	s10 =	sld [smem:$0x3FBB]  }
0x39: {  	_ = 	snop;
	(pc) =	sbr.ind lr, $3  }
0x3a: {  	_ = 	snop  }
0x3b: {  	_ = 	snop  }
0x3c: {  	p2 =	seq.s32 s10, $0x1;
	s10 =	sld [smem:$0x3FBA]  }
0x3d: {  	_ =	shalt  }
0x3e: {  	_ =	shalt  }
0x3f: {  	_ =	shalt  }
0x40: {  	_ =	shalt  }
0x41: {  	_ =	shalt  }
0x42: {  	_ =	shalt  }
0x43: {  	_ =	shalt  }
0x44: {  	_ =	shalt  }
0x45: {  	_ =	shalt  }
0x46: {  	_ =	shalt  }
0x47: {  	_ =	shalt  }
0x48: {  	_ =	shalt  }
0x49: {  	_ =	shalt  }
0x4a: {  	_ =	shalt  }
0x4b: {  	_ =	shalt  }
0x4c: {  	_ =	shalt  }
0x4d: {  	_ =	shalt  }
0x4e: {  	_ =	shalt  }
0x4f: {  	_ =	shalt  }
0x50: {  	_ =	shalt  }
0x51: {  	_ =	shalt  }
0x52: {  	_ =	shalt  }
0x53: {  	_ =	shalt  }
0x54: {  	_ =	shalt  }
0x55: {  	_ =	shalt  }
0x56: {  	_ =	shalt  }
0x57: {  	_ =	shalt  }
0x58: {  	_ =	shalt  }
0x59: {  	_ =	shalt  }
0x5a: {  	_ =	shalt  }
0x5b: {  	_ =	shalt  }
0x5c: {  	_ =	shalt  }
0x5d: {  	_ =	shalt  }
0x5e: {  	_ =	shalt  }
0x5f: {  	_ =	shalt  }
0x60: {  	_ =	shalt  }
0x61: {  	_ =	shalt  }
0x62: {  	_ =	shalt  }
0x63: {  	_ =	shalt  }
0x64: {  	_ =	shalt  }
0x65: {  	_ =	shalt  }
0x66: {  	_ =	shalt  }
0x67: {  	_ =	shalt  }
0x68: {  	_ =	shalt  }
0x69: {  	_ =	shalt  }
0x6a: {  	_ =	shalt  }
0x6b: {  	_ =	shalt  }
0x6c: {  	_ =	shalt  }
0x6d: {  	_ =	shalt  }
0x6e: {  	_ =	shalt  }
0x6f: {  	_ =	shalt  }
0x70: {  	_ =	shalt  }
0x71: {  	_ =	shalt  }
0x72: {  	_ =	shalt  }
0x73: {  	_ =	shalt  }
0x74: {  	_ =	shalt  }
0x75: {  	_ =	shalt  }
0x76: {  	_ =	shalt  }
0x77: {  	_ =	shalt  }
0x78: {  	_ =	shalt  }
0x79: {  	_ =	shalt  }
0x7a: {  	_ =	shalt  }
0x7b: {  	_ =	shalt  }
0x7c: {  	_ =	shalt  }
0x7d: {  	_ =	shalt  }
0x7e: {  	_ =	shalt  }
0x7f: {  	_ =	shalt  }
0x80: {  	_ =	shalt  }
0x81: {  	_ =	shalt  }
0x82: {  	_ =	shalt  }
0x83: {  	_ =	shalt  }
0x84: {  	_ =	shalt  }
0x85: {  	_ =	shalt  }
0x86: {  	_ =	shalt  }
0x87: {  	_ =	shalt  }
.Lfunc_end0:
.L_simem_size_0:
called_computation_lowered:
.L_overlay_start_0:
0x88: {  	s2 =	sld [smem:$0x3FD9]  }
0x89: {  	s3 =	sld [smem:$0x3FFE];
	_ =	sdelay $0x1  }
0x8a: {  	s1 =	srdreg.scid  }
0x8b: {  	s0 =	sand.u32 $0x1, s1  }
0x8c: {  	s17 =	sshll.u32 s0, $0xA;
	s2 =	sadd.s32 s3, s2  }
0x8d: {  	s2 =	sadd.s32 s2, s17  }
0x8e: {  	[smem:$0x3FC6] =	sst s2  }
0x8f: {  	_ = 	snop  }
0x90: {  	s2 =	sld [smem:$0x3FD0];
	(tm) =	ssettm $0x1  }
0x91: {  	s18 =	sld [smem:$0x3FFB];
	_ =	sdelay $0x3  }
0x92: {  	_ =	strace s18  }
0x93: {  	s3 =	sld [smem:$0x3FFC];
	_ =	sdelay $0x3  }
0x94: {  	_ =	strace s3  }
0x95: {  	s3 =	sld [smem:$0x3FFD];
	_ =	sdelay $0x3  }
0x96: {  	_ =	strace s3  }
0x97: {  	_ =	strace $0x8FFFFFFF  }
0x98: {  	s19 =	sld [smem:$0x3FDB];
	_ =	sdelay $0x1  }
0x99: {  	s4 =	simm.s32 $_scs_section_size  }
0x9a: {  	s5 =	simm.s32 $_size__tile_overlayer_lowered;
	s6 =	simm.s32 $_tile_overlayer_lowered  }
0x9b: {  	s22 =	simm.s32 $0x1BFF;
	s21 =	sshll.u32 s6, $0x1;
	s3 =	sadd.s32 s4, s19  }
0x9c: {  	s7 =	simm.s32 $0x0;
	s20 =	sshll.u32 s5, $0x1;
	s5 =	sadd.s32 s21, s3  }
0x9d: {  	[timem:s7], [sflag:s22] =	dma.local [hbm:s5], s20  }
0x9e: {  	_ =	swait.ge [sflag:s22], s20  }
0x9f: {  	s4 =	ssub.s32 $0x0, s20;
	[sflag:s22] =	ssyncset.done $0x0  }
0xa0: {  	[sflag:s22] =	ssyncadd.s32 s4;
	_ =	sdelay $0x1  }
0xa1: {  	s23 =	simm.s32 $0x1B8B  }
0xa2: {  	_ =	swait.ge [sflag:s23], $0x1  }
0xa3: {  	[sflag:s23] =	ssyncset.done $0x0  }
0xa4: {  	s25 =	simm.s32 $0x1B8E;
	s24 =	sld [smem:$0x3FFE];
	[sflag:s23] =	ssyncadd.s32 $0xFFFFFFFF  }
0xa5: {  	s26 =	simm.s32 $execute0_lowered;
	[smem:$0x3FD2] =	sst s25  }
0xa6: {  	s5 =	sshll.u32 s26, $0x1;
	_ =	strace $0x80000046;
	[dreg:$0x1] =	wrdreg $0xFFFFFFFF  }
0xa7: {  	s28 =	simm.s32 $_size_execute0_lowered;
	s3 =	sadd.s32 s3, s5;
	[dreg:$0x0] =	wrdreg $0x0  }
0xa8: {  	s5 =	sshll.u32 s28, $0x1;
	[dreg:$0x2] =	wrdreg s3  }
0xa9: {  	[dreg:$0x3] =	wrdreg s5  }
0xaa: {  	[dreg:$0x4] =	wrdreg $0xC0  }
0xab: {  	_ =	task [dreg:s7], $0x5FFFF  }
0xac: {  	[dreg:$0x1] =	wrdreg $0xFFFFFFFF  }
0xad: {  	[dreg:$0x0] =	wrdreg $0x60  }
0xae: {  	[dreg:$0x2] =	wrdreg s24  }
0xaf: {  	[dreg:$0x3] =	wrdreg s2  }
0xb0: {  	[dreg:$0x4] =	wrdreg $0x9  }
0xb1: {  	_ =	task.clear_ibuf [dreg:s7], $0x5FFFF;
	_ =	strace $0x90000046  }
0xb2: {  	s29 =	simm.s32 $0x9;
	_ =	strace $0x80000048  }
0xb3: {  	_ =	swait.ge [sflag:s29], $0x1  }
0xb4: {  	[sflag:s29] =	ssyncadd.s32 $0xFFFFFFFF  }
0xb5: {  	_ =	strace $0x90000048  }
0xb6: {  	_ =	sfence  }
0xb7: {  	s30 =	sld [smem:$0x0];
	_ =	sdelay $0x2  }
0xb8: {  	s31 =	sshll.u32 s1, $0xD;
	s1 =	sshrl.u32 s1, $0x2  }
0xb9: {  	s3 =	sand.u32 $0x4000, s31;
	s1 =	sadd.s32 s1, s30  }
0xba: {  	s0 =	sor.u32 s3, s0;
	s1 =	sshll.u32 s1, $0x11  }
0xbb: {  	s0 =	sor.u32 s1, s0  }
0xbc: {  	s0 =	sadd.s32 $0x8F2B, s0  }
0xbd: {  	[sflag:s0] =	ssyncadd.remote.s32 $0x1  }
0xbe: {  	_ =	sfence.sel $0xFFFF  }
0xbf: {  	[dreg:$0x0] =	wrdreg $0xFFFFFFFF;
	(pc) =	sbr.abs _section_cstart, $3  }
0xc0: {  	[dreg:$0x1] =	wrdreg $0xFFFFFFFF  }
0xc1: {  	_ =	task.clear_ibuf [dreg:s7], $0x2FFFF;
	_ =	strace $0x9FFFFFFF  }
0xc2: {  	(tm) =	ssettm $0x7FFFFFFF  }
0xc3: {  	_ =	shalt  }
tec
execute0_lowered:
.L_overlay_start_1:
0x0: {  	(tag) =	ssettag $0x1  }
0x1: {  	s1 =	srdreg.scid  }
0x2: {  	s0 =	stileid.u32;
	s4 =	rddreg [dreg:$0x0]  }
0x3: {  	s5 =	rddreg [dreg:$0x1];
	s9 =	simm.s32 $0x6400;
	s10 =	simm.s32 $0x9600  }
0x4: {  	s11 =	simm.s32 $0x1;
	s12 =	simm.s32 $0x2;
	s13 =	simm.s32 $0xC800  }
0x5: {  	s14 =	simm.s32 $0x0;
	s3 =	sand.u32 $0x1, s1;
	s30 =	sshll.u32 s0, $0x8  }
0x6: {  	s1 =	rddreg [dreg:$0x2];
	s2 =	sshll.u32 s3, $0x7;
	s8 =	ssub.s32 $0x2, s3  }
0x7: {  	s3 =	sadd.s32 $0xF42A00, s4;
	s6 =	sor.u32 s2, s30;
	s2 =	simm.s32 $0x0  }
0x8: {  	s31 =	sshrl.u32 s8, $0x1;
	s7 =	smul.u32 $0x19, s6;
	[smem:$0x7FF] =	sst s2  }
0x9: {  	s6 =	sshll.u32 s6, $0x3;
	s8 =	ssub.s32 s8, s31;
	_ =	strace $0x80000047  }
0xa: {  	s5 =	sadd.s32 s5, s6;
	s6 =	smax.u32 s8, $0x1;
	s7 =	sadd.s32 s7, s4  }
0xb: {  	s8 =	simm.s32 $0xC8;
	s4 =	sadd.s32 $0x600, s7;
	s7 =	simm.s32 $0x3  }
.LBB2_1:
0xc: {  	[tilespmem:s2], [sflag:$0x3] =	stream.linear.gather [hbm4b:s4+s2], $0x6400, $0x38;
	[tilespmem:$0xE800] =	vst v63  }
0xd: {  	_ =	swait.ge [sflag:s7], $0x6400  }
0xe: {  	[sflag:s7] =	ssyncset.done $0x0  }
0xf: {  	[sflag:s7] =	ssyncadd.s32 $0xFFFF9C00  }
0x10: {  	[tilespmem:s9], [sflag:$0x1] =	stream.indirect.gather [hbm4b:s3+s8], $0x40, s2, s8, $0xb8;
	[tilespmem:$0xE800] =	vst v63  }
0x11: {  	s15 =	simm.s32 $0x0  }
0x12: {  	[tilespmem:s10], [sflag:$0x2] =	stream.indirect.gather [hbm4b:s3+s8], $0x40, s8, s8, $0xb8;
	[tilespmem:$0xE800] =	vst v63  }
.LBB2_2:
0x13: {  	_ =	swait.ge [sflag:s11], $0x3200  }
0x14: {  	[sflag:s11] =	ssyncset.done $0x0  }
0x15: {  	s17 =	simm.s32 $0x6500;
	[sflag:s11] =	ssyncadd.s32 $0xFFFFCE00  }
0x16: {  	v1 =	vld [tilespmem:s17+$0xC0]  }
0x17: {  	v0 =	vld [tilespmem:s17+$0xD0]  }
0x18: {  	v2 =	vld [tilespmem:s17+$0x80]  }
0x19: {  	v3 =	vld [tilespmem:s17+$0x90]  }
0x1a: {  	v8 =	vld [tilespmem:s17+$0x40]  }
0x1b: {  	v12 =	vld [tilespmem:s17+$0x50]  }
0x1c: {  	v4 =	vld [tilespmem:s17+$0x0]  }
0x1d: {  	v7 =	vld [tilespmem:s17+$0x10]  }
0x1e: {  	v6 =	vld [tilespmem:s17+$0xFFFFFFC0]  }
0x1f: {  	v9 =	vld [tilespmem:s17+$0xFFFFFFD0]  }
0x20: {  	v5 =	vld [tilespmem:s17+$0xFFFFFF80]  }
0x21: {  	v10 =	vld [tilespmem:s17+$0xFFFFFF90]  }
0x22: {  	v11 =	vld [tilespmem:s17+$0xFFFFFF40]  }
0x23: {  	v13 =	vld [tilespmem:s17+$0xFFFFFF50]  }
0x24: {  	v14 =	vld [tilespmem:s17+$0xFFFFFF00]  }
0x25: {  	v15 =	vld [tilespmem:s17+$0xFFFFFF10]  }
0x26: {  	v16 =	vld [tilespmem:s17+$0xFFFFFF20]  }
0x27: {  	v17 =	vld [tilespmem:s17+$0xFFFFFF30]  }
0x28: {  	v18 =	vld [tilespmem:s17+$0xFFFFFF60]  }
0x29: {  	v19 =	vld [tilespmem:s17+$0xFFFFFF70]  }
0x2a: {  	v20 =	vimm.f32 $0.0e+00;
	v21 =	vld [tilespmem:s17+$0xFFFFFFA0]  }
0x2b: {  	v22 =	vld [tilespmem:s17+$0xFFFFFFB0];
	v14 =	vadd.f32 v14, v20;
	v15 =	vadd.f32 v15, v20  }
0x2c: {  	v59 =	vld [tilespmem:s17+$0xFFFFFFE0];
	v16 =	vadd.f32 v16, v20;
	v17 =	vadd.f32 v17, v20  }
0x2d: {  	v11 =	vadd.f32 v11, v14;
	v13 =	vadd.f32 v13, v15;
	v14 =	vld [tilespmem:s17+$0xFFFFFFF0]  }
0x2e: {  	v61 =	vld [tilespmem:s17+$0x20];
	v15 =	vadd.f32 v18, v16;
	v60 =	vadd.f32 v19, v17  }
0x2f: {  	v11 =	vadd.f32 v5, v11;
	v10 =	vadd.f32 v10, v13;
	v13 =	vld [tilespmem:s17+$0x30]  }
0x30: {  	v15 =	vadd.f32 v21, v15;
	v16 =	vadd.f32 v22, v60;
	v5 =	vld [tilespmem:s17+$0x60]  }
0x31: {  	v11 =	vadd.f32 v6, v11;
	v10 =	vadd.f32 v9, v10;
	v9 =	vld [tilespmem:s17+$0x70]  }
0x32: {  	v15 =	vadd.f32 v59, v15;
	v6 =	vld [tilespmem:s17+$0xA0];
	v14 =	vadd.f32 v14, v16  }
0x33: {  	v62 =	vadd.f32 v4, v11;
	v63 =	vadd.f32 v7, v10;
	v7 =	vld [tilespmem:s17+$0xB0]  }
0x34: {  	v11 =	vadd.f32 v61, v15;
	v4 =	vld [tilespmem:s17+$0xE0];
	v10 =	vadd.f32 v13, v14  }
0x35: {  	s16 =	simm.s32 $0x0;
	v13 =	vadd.f32 v8, v62;
	v12 =	vadd.f32 v12, v63;
	v8 =	vld [tilespmem:s17+$0xF0];
	s17 =	simm.s32 $0x6700  }
.LBB2_3:
0x36: {  	v14 =	vld [tilespmem:s17+$0xC0];
	v5 =	vadd.f32 v5, v11;
	v9 =	vadd.f32 v9, v10  }
0x37: {  	v10 =	vld [tilespmem:s17+$0xD0];
	v11 =	vadd.f32 v2, v13;
	v12 =	vadd.f32 v3, v12  }
0x38: {  	v2 =	vld [tilespmem:s17+$0x80];
	v5 =	vadd.f32 v6, v5;
	v6 =	vadd.f32 v7, v9  }
0x39: {  	v3 =	vld [tilespmem:s17+$0x90];
	v7 =	vadd.f32 v1, v11;
	v9 =	vadd.f32 v0, v12  }
0x3a: {  	v12 =	vld [tilespmem:s17+$0x40];
	v4 =	vadd.f32 v4, v5;
	v5 =	vadd.f32 v8, v6  }
0x3b: {  	v8 =	vld [tilespmem:s17+$0x50];
	v1 =	vmov v14  }
0x3c: {  	v11 =	vld [tilespmem:s17+$0x0];
	v0 =	vmov v10  }
0x3d: {  	v10 =	vld [tilespmem:s17+$0x10]  }
0x3e: {  	v6 =	vld [tilespmem:s17+$0xFFFFFFC0]  }
0x3f: {  	v13 =	vld [tilespmem:s17+$0xFFFFFFD0]  }
0x40: {  	v14 =	vld [tilespmem:s17+$0xFFFFFF80]  }
0x41: {  	v15 =	vld [tilespmem:s17+$0xFFFFFF90]  }
0x42: {  	v16 =	vld [tilespmem:s17+$0xFFFFFF40]  }
0x43: {  	v17 =	vld [tilespmem:s17+$0xFFFFFF50]  }
0x44: {  	v18 =	vld [tilespmem:s17+$0xFFFFFF00]  }
0x45: {  	v19 =	vld [tilespmem:s17+$0xFFFFFF10]  }
0x46: {  	v20 =	vld [tilespmem:s17+$0xFFFFFF20]  }
0x47: {  	s16 =	sadd.s32 $0x8, s16;
	v21 =	vld [tilespmem:s17+$0xFFFFFF30]  }
0x48: {  	p0 =	slt.u32 s16, $0xC0;
	v22 =	vld [tilespmem:s17+$0xFFFFFF60]  }
0x49: {  	v23 =	vld [tilespmem:s17+$0xFFFFFF70]  }
0x4a: {  	v24 =	vld [tilespmem:s17+$0xFFFFFFA0]  }
0x4b: {  	v7 =	vadd.f32 v18, v7;
	v9 =	vadd.f32 v19, v9;
	v18 =	vld [tilespmem:s17+$0xFFFFFFB0]  }
0x4c: {  	v4 =	vadd.f32 v20, v4;
	v5 =	vadd.f32 v21, v5;
	v19 =	vld [tilespmem:s17+$0xFFFFFFE0]  }
0x4d: {  	v7 =	vadd.f32 v16, v7;
	v9 =	vadd.f32 v17, v9;
	v16 =	vld [tilespmem:s17+$0xFFFFFFF0]  }
0x4e: {  	v4 =	vadd.f32 v22, v4;
	v5 =	vadd.f32 v23, v5;
	v17 =	vld [tilespmem:s17+$0x20]  }
0x4f: {  	v7 =	vadd.f32 v14, v7;
	v9 =	vadd.f32 v15, v9;
	v14 =	vld [tilespmem:s17+$0x30]  }
0x50: {  	v4 =	vadd.f32 v24, v4;
	v15 =	vadd.f32 v18, v5;
	v5 =	vld [tilespmem:s17+$0x60]  }
.Ltmp0:
0x51: {  	v7 =	vadd.f32 v6, v7;
	v13 =	vadd.f32 v13, v9;
	v9 =	vld [tilespmem:s17+$0x70];
	(pc) =	sbr.rel @p0 .LBB2_3-.Ltmp0, $4  }
0x52: {  	v4 =	vadd.f32 v19, v4;
	v15 =	vadd.f32 v16, v15;
	v6 =	vld [tilespmem:s17+$0xA0]  }
0x53: {  	v16 =	vadd.f32 v11, v7;
	v18 =	vadd.f32 v10, v13;
	v7 =	vld [tilespmem:s17+$0xB0]  }
0x54: {  	v11 =	vadd.f32 v17, v4;
	v10 =	vadd.f32 v14, v15;
	v4 =	vld [tilespmem:s17+$0xE0]  }
0x55: {  	v13 =	vadd.f32 v12, v16;
	v12 =	vadd.f32 v8, v18;
	v8 =	vld [tilespmem:s17+$0xF0];
	s17 =	sadd.s32 $0x200, s17  }
0x56: {  	p0 =	seq.s32 s15, $0x3F  }
0x57: {  	v5 =	vadd.f32 v5, v11;
	s16 =	smul.u32 @!p0 $0x640, s15;
	v2 =	vadd.f32 v2, v13  }
0x58: {  	v9 =	vadd.f32 v9, v10;
	v3 =	vadd.f32 v3, v12  }
0x59: {  	s30 =	sshll.u32 s15, $0x7;
	v5 =	vadd.f32 v6, v5;
	s17 =	sshra.s32 @!p0 s16, $0x2;
	v1 =	vadd.f32 v1, v2  }
0x5a: {  	s18 =	simm.s32 @!p0 $0xC8;
	s19 =	simm.s32 @!p0 $0x6400;
	v2 =	vadd.f32 v7, v9;
	v0 =	vadd.f32 v0, v3;
	s16 =	sadd.s32 @!p0 $0x190, s17  }
0x5b: {  	v3 =	vadd.f32 v4, v5;
	[tilespmem:s19], [sflag:$0x1] =	stream.indirect.gather @!p0 [hbm4b:s3+s18], $0x40, s16, s18, $0xb8;
	v1 =	vmul.f32 $4.999999890e-03, v1;
	[tilespmem:$0xE800] =	vst v63  }
0x5c: {  	v2 =	vadd.f32 v8, v2;
	s16 =	sand.u32 $0x3FFFFF80, s30;
	v0 =	vmul.f32 $4.999999890e-03, v0  }
0x5d: {  	[tilespmem:s16+$0xC800] =	vst v1;
	v1 =	vmul.f32 $4.999999890e-03, v3  }
0x5e: {  	[tilespmem:s16+$0xC810] =	vst v0;
	v0 =	vmul.f32 $4.999999890e-03, v2  }
0x5f: {  	[tilespmem:s16+$0xC820] =	vst v1  }
0x60: {  	[tilespmem:s16+$0xC830] =	vst v0  }
0x61: {  	_ =	swait.ge [sflag:s12], $0x3200  }
0x62: {  	[sflag:s12] =	ssyncset.done $0x0  }
0x63: {  	s31 =	simm.s32 $0x9700;
	[sflag:s12] =	ssyncadd.s32 $0xFFFFCE00  }
0x64: {  	v0 =	vld [tilespmem:s31+$0xC0]  }
0x65: {  	v1 =	vld [tilespmem:s31+$0xD0]  }
0x66: {  	v2 =	vld [tilespmem:s31+$0x80]  }
0x67: {  	v3 =	vld [tilespmem:s31+$0x90]  }
0x68: {  	v9 =	vld [tilespmem:s31+$0x40]  }
0x69: {  	v12 =	vld [tilespmem:s31+$0x50]  }
0x6a: {  	v7 =	vld [tilespmem:s31+$0x0]  }
0x6b: {  	v8 =	vld [tilespmem:s31+$0x10]  }
0x6c: {  	v5 =	vld [tilespmem:s31+$0xFFFFFFC0]  }
0x6d: {  	v6 =	vld [tilespmem:s31+$0xFFFFFFD0]  }
0x6e: {  	v4 =	vld [tilespmem:s31+$0xFFFFFF80]  }
0x6f: {  	v10 =	vld [tilespmem:s31+$0xFFFFFF90]  }
0x70: {  	v11 =	vld [tilespmem:s31+$0xFFFFFF40]  }
0x71: {  	v13 =	vld [tilespmem:s31+$0xFFFFFF50]  }
0x72: {  	v14 =	vld [tilespmem:s31+$0xFFFFFF00]  }
0x73: {  	v15 =	vld [tilespmem:s31+$0xFFFFFF10]  }
0x74: {  	v16 =	vld [tilespmem:s31+$0xFFFFFF20]  }
0x75: {  	v17 =	vld [tilespmem:s31+$0xFFFFFF30]  }
0x76: {  	v18 =	vld [tilespmem:s31+$0xFFFFFF60]  }
0x77: {  	v19 =	vld [tilespmem:s31+$0xFFFFFF70]  }
0x78: {  	v20 =	vimm.f32 $0.0e+00;
	v21 =	vld [tilespmem:s31+$0xFFFFFFA0]  }
0x79: {  	v22 =	vld [tilespmem:s31+$0xFFFFFFB0];
	v14 =	vadd.f32 v14, v20;
	v15 =	vadd.f32 v15, v20  }
0x7a: {  	v59 =	vld [tilespmem:s31+$0xFFFFFFE0];
	v16 =	vadd.f32 v16, v20;
	v17 =	vadd.f32 v17, v20  }
0x7b: {  	v11 =	vadd.f32 v11, v14;
	v13 =	vadd.f32 v13, v15;
	v14 =	vld [tilespmem:s31+$0xFFFFFFF0]  }
0x7c: {  	v61 =	vld [tilespmem:s31+$0x20];
	v15 =	vadd.f32 v18, v16;
	v60 =	vadd.f32 v19, v17  }
0x7d: {  	v11 =	vadd.f32 v4, v11;
	v10 =	vadd.f32 v10, v13;
	v13 =	vld [tilespmem:s31+$0x30]  }
0x7e: {  	v15 =	vadd.f32 v21, v15;
	v16 =	vadd.f32 v22, v60;
	v4 =	vld [tilespmem:s31+$0x60]  }
0x7f: {  	v11 =	vadd.f32 v5, v11;
	v10 =	vadd.f32 v6, v10;
	v6 =	vld [tilespmem:s31+$0x70]  }
0x80: {  	v15 =	vadd.f32 v59, v15;
	v5 =	vld [tilespmem:s31+$0xA0];
	v14 =	vadd.f32 v14, v16  }
0x81: {  	v62 =	vadd.f32 v7, v11;
	v63 =	vadd.f32 v8, v10;
	v8 =	vld [tilespmem:s31+$0xB0]  }
0x82: {  	v11 =	vadd.f32 v61, v15;
	v7 =	vld [tilespmem:s31+$0xE0];
	v10 =	vadd.f32 v13, v14  }
0x83: {  	s18 =	simm.s32 $0x0;
	s19 =	simm.s32 $0x9900;
	v13 =	vadd.f32 v9, v62;
	v12 =	vadd.f32 v12, v63;
	v9 =	vld [tilespmem:s31+$0xF0]  }
.LBB2_5:
0x84: {  	v14 =	vld [tilespmem:s19+$0xC0];
	v4 =	vadd.f32 v4, v11;
	v6 =	vadd.f32 v6, v10  }
0x85: {  	v10 =	vld [tilespmem:s19+$0xD0];
	v11 =	vadd.f32 v2, v13;
	v12 =	vadd.f32 v3, v12  }
0x86: {  	v2 =	vld [tilespmem:s19+$0x80];
	v4 =	vadd.f32 v5, v4;
	v5 =	vadd.f32 v8, v6  }
0x87: {  	v3 =	vld [tilespmem:s19+$0x90];
	v6 =	vadd.f32 v0, v11;
	v8 =	vadd.f32 v1, v12  }
0x88: {  	v12 =	vld [tilespmem:s19+$0x40];
	v4 =	vadd.f32 v7, v4;
	v5 =	vadd.f32 v9, v5  }
0x89: {  	v9 =	vld [tilespmem:s19+$0x50];
	v0 =	vmov v14  }
0x8a: {  	v7 =	vld [tilespmem:s19+$0x0];
	v1 =	vmov v10  }
0x8b: {  	v10 =	vld [tilespmem:s19+$0x10]  }
0x8c: {  	v11 =	vld [tilespmem:s19+$0xFFFFFFC0]  }
0x8d: {  	v13 =	vld [tilespmem:s19+$0xFFFFFFD0]  }
0x8e: {  	v14 =	vld [tilespmem:s19+$0xFFFFFF80]  }
0x8f: {  	v15 =	vld [tilespmem:s19+$0xFFFFFF90]  }
0x90: {  	v16 =	vld [tilespmem:s19+$0xFFFFFF40]  }
0x91: {  	v17 =	vld [tilespmem:s19+$0xFFFFFF50]  }
0x92: {  	v18 =	vld [tilespmem:s19+$0xFFFFFF00]  }
0x93: {  	v19 =	vld [tilespmem:s19+$0xFFFFFF10]  }
0x94: {  	v20 =	vld [tilespmem:s19+$0xFFFFFF20]  }
0x95: {  	s18 =	sadd.s32 $0x8, s18;
	v21 =	vld [tilespmem:s19+$0xFFFFFF30]  }
0x96: {  	p1 =	slt.u32 s18, $0xC0;
	v22 =	vld [tilespmem:s19+$0xFFFFFF60]  }
0x97: {  	v23 =	vld [tilespmem:s19+$0xFFFFFF70]  }
0x98: {  	v24 =	vld [tilespmem:s19+$0xFFFFFFA0]  }
0x99: {  	v6 =	vadd.f32 v18, v6;
	v8 =	vadd.f32 v19, v8;
	v18 =	vld [tilespmem:s19+$0xFFFFFFB0]  }
0x9a: {  	v4 =	vadd.f32 v20, v4;
	v5 =	vadd.f32 v21, v5;
	v19 =	vld [tilespmem:s19+$0xFFFFFFE0]  }
0x9b: {  	v6 =	vadd.f32 v16, v6;
	v8 =	vadd.f32 v17, v8;
	v16 =	vld [tilespmem:s19+$0xFFFFFFF0]  }
0x9c: {  	v4 =	vadd.f32 v22, v4;
	v5 =	vadd.f32 v23, v5;
	v17 =	vld [tilespmem:s19+$0x20]  }
0x9d: {  	v6 =	vadd.f32 v14, v6;
	v8 =	vadd.f32 v15, v8;
	v14 =	vld [tilespmem:s19+$0x30]  }
0x9e: {  	v15 =	vadd.f32 v24, v4;
	v5 =	vadd.f32 v18, v5;
	v4 =	vld [tilespmem:s19+$0x60]  }
.Ltmp1:
0x9f: {  	v11 =	vadd.f32 v11, v6;
	v8 =	vadd.f32 v13, v8;
	v6 =	vld [tilespmem:s19+$0x70];
	(pc) =	sbr.rel @p1 .LBB2_5-.Ltmp1, $4  }
0xa0: {  	v13 =	vadd.f32 v19, v15;
	v15 =	vadd.f32 v16, v5;
	v5 =	vld [tilespmem:s19+$0xA0]  }
0xa1: {  	v16 =	vadd.f32 v7, v11;
	v18 =	vadd.f32 v10, v8;
	v8 =	vld [tilespmem:s19+$0xB0]  }
0xa2: {  	v11 =	vadd.f32 v17, v13;
	v10 =	vadd.f32 v14, v15;
	v7 =	vld [tilespmem:s19+$0xE0]  }
0xa3: {  	v13 =	vadd.f32 v12, v16;
	v12 =	vadd.f32 v9, v18;
	v9 =	vld [tilespmem:s19+$0xF0];
	s19 =	sadd.s32 $0x200, s19  }
0xa4: {  	_ = 	snop  }
0xa5: {  	v4 =	vadd.f32 v4, v11;
	v2 =	vadd.f32 v2, v13  }
0xa6: {  	v6 =	vadd.f32 v6, v10;
	s17 =	sadd.s32 @!p0 $0x258, s17;
	v3 =	vadd.f32 v3, v12  }
0xa7: {  	s18 =	simm.s32 @!p0 $0xC8;
	s19 =	simm.s32 @!p0 $0x9600;
	s15 =	sadd.s32 $0x1, s15;
	v4 =	vadd.f32 v5, v4;
	v0 =	vadd.f32 v0, v2  }
0xa8: {  	[tilespmem:s19], [sflag:$0x2] =	stream.indirect.gather @!p0 [hbm4b:s3+s18], $0x40, s17, s18, $0xb8;
	v60 =	vadd.f32 v8, v6;
	v1 =	vadd.f32 v1, v3;
	[tilespmem:$0xE800] =	vst v63  }
0xa9: {  	p0 =	sne.s32 s15, $0x40;
	v61 =	vadd.f32 v7, v4;
	v0 =	vmul.f32 $4.999999890e-03, v0  }
.Ltmp2:
0xaa: {  	v2 =	vadd.f32 v9, v60;
	v1 =	vmul.f32 $4.999999890e-03, v1;
	(pc) =	sbr.rel @p0 .LBB2_2-.Ltmp2, $4  }
0xab: {  	v62 =	vmul.f32 $4.999999890e-03, v61;
	[tilespmem:s16+$0xC840] =	vst v0  }
0xac: {  	v63 =	vmul.f32 $4.999999890e-03, v2;
	[tilespmem:s16+$0xC850] =	vst v1  }
0xad: {  	[tilespmem:s16+$0xC860] =	vst v62  }
0xae: {  	[tilespmem:s16+$0xC870] =	vst v63  }
0xaf: {  	s14 =	sadd.s32 $0x1, s14  }
0xb0: {  	p0 =	sne.s32 s14, s6  }
.Ltmp3:
0xb1: {  	_ = 	snop;
	(pc) =	sbr.rel @p0 .LBB2_1-.Ltmp3, $4  }
0xb2: {  	[hbm4b:s5+s2] =	stream.linear.scatter [tilespmem:s13], [sflag:$0x3], $0x2000, $0x38;
	[tilespmem:$0xE800] =	vst v63  }
0xb3: {  	_ =	swait.ge [sflag:s7], $0x2000  }
0xb4: {  	[sflag:s7] =	ssyncset.done $0x0  }
0xb5: {  	[sflag:s7] =	ssyncadd.s32 $0xFFFFE000  }
0xb6: {  	_ =	sfence.sel $0x180000  }
0xb7: {  	[bflag:$0x0] =	sbarrier.arrive $0xFFFF  }
0xb8: {  	p0 =	sne.s32 s0, $0x0;
	_ =	strace $0x90000047  }
0xb9: {  	s0 =	sadd.s32 @!p0 $0x100000, s1;
	[bflag:$0x2] =	sbarrier.arrive $0xFFFF  }
0xba: {  	[sflag:s0] =	ssyncadd.tile.s32 @!p0 $0x1;
	_ =	shalt  }
.Lfunc_end2:
_tile_overlayer_lowered:
.L_overlay_start_2:
0xbb: {  	(tag) =	ssettag $0x2  }
0xbc: {  	s0 =	rddreg [dreg:$0x0];
	s2 =	stileid.u32  }
0xbd: {  	s1 =	rddreg [dreg:$0x1];
	p0 =	sne.s32 s2, $0x0  }
0xbe: {  	s3 =	rddreg [dreg:$0x2];
	[bflag:$0x3] =	sbarrier.arrive $0xFFFF;
	s2 =	simm.s32 @!p0 $0x1C03  }
0xbf: {  	[timem:s3], [sflag:s2] =	dma.local @!p0 [hbm:s0], s1  }
0xc0: {  	s0 =	simm.s32 @!p0 $0x3  }
0xc1: {  	_ =	swait.ge @!p0 [sflag:s0], s1  }
0xc2: {  	s1 =	ssub.s32 @!p0 $0x0, s1;
	[sflag:s0] =	ssyncset.done @!p0 $0x0  }
0xc3: {  	[sflag:s0] =	ssyncadd.s32 @!p0 s1  }
0xc4: {  	[bflag:$0x3] =	sbarrier.arrive $0xFFFF  }
0xc5: {  	_ =	shalt  }

</sc_bundles>
